<compile_context>
chip_gen: v7x
topology: tpu7x:2x2x1
jax: 0.10.2.dev20260603
libtpu: 0.0.44.dev20260713+nightly
codegen_flags: <defaults>
</compile_context>

<pallas_src>
import functools
import math

import jax
import jax.numpy as jnp
from jax import lax
from jax.experimental import pallas as pl
from jax.experimental.pallas import tpu as pltpu
from jax.experimental.pallas import tpu_sc as plsc

_C = 10
_ROW_BLK = 128
_NSUB = 16



def _sc_hist_body(idx_hbm, out_hbm, idx_v, loc_v):
    c = lax.axis_index("c")
    s = lax.axis_index("s")
    n = loc_v.shape[0]
    chunk = idx_v.shape[0]

    zeros16 = jnp.zeros((16,), jnp.float32)
    for i in range(n // 16):
        loc_v[pl.ds(i * 16, 16)] = zeros16

    pltpu.sync_copy(idx_hbm.at[pl.ds(c * (chunk * _NSUB) + s * chunk, chunk)],
                    idx_v)

    ones = jnp.ones((16,), jnp.float32)
    for i in range(chunk // 16):
        iv = idx_v[pl.ds(i * 16, 16)]
        plsc.addupdate_scatter(loc_v, [jnp.maximum(iv, 0)], ones,
                               mask=iv >= 0)

    pltpu.sync_copy(loc_v, out_hbm.at[pl.ds((c * _NSUB + s) * n, n)])


def _sc_histogram(idx_flat, B, n):
    UP = idx_flat.shape[0] // B
    mesh = plsc.VectorSubcoreMesh(core_axis_name="c", subcore_axis_name="s")
    out = pl.kernel(
        _sc_hist_body,
        out_type=jax.ShapeDtypeStruct((B * _NSUB * n,), jnp.float32),
        mesh=mesh,
        scratch_types=[
            pltpu.VMEM((UP // _NSUB,), jnp.int32),
            pltpu.VMEM((n,), jnp.float32),
        ],
        compiler_params=pltpu.CompilerParams(needs_layout_passes=False),
    )(idx_flat)
    return out.reshape(B, _NSUB, n)



def _attn_body(q_ref, k_ref, v_ref, h_ref, out_ref, *, inv_u):
    m = q_ref.shape[1]
    n = k_ref.shape[1]
    d = q_ref.shape[2]
    u = int(_C * math.log(m))
    u_pad = ((u + 7) // 8) * 8
    nr = m // _ROW_BLK
    neg = jnp.float32(-3e38)

    k_all = k_ref[0]
    cnts = jnp.sum(h_ref[0], axis=0, keepdims=True)
    w2row = cnts * jnp.float32(inv_u)
    msk = cnts > 0.0

    def _fold(x, op):
        w = x.shape[1]
        while w > 128:
            w //= 2
            x = op(x[:, :w], x[:, w:2 * w])
        return x

    m_rows = []
    for r in range(nr):
        qb = q_ref[0, r * _ROW_BLK:(r + 1) * _ROW_BLK, :]
        s = lax.dot_general(qb, k_all, (((1,), (1,)), ((), ())),
                            preferred_element_type=jnp.float32)
        mmax = jnp.max(_fold(jnp.where(msk, s, neg), jnp.maximum), axis=1)
        msum = jnp.sum(_fold(s * w2row, jnp.add), axis=1)
        m_rows.append(mmax - msum)
    m_row = jnp.concatenate(m_rows)[None, :]
    m_col = m_row.reshape(m, 1)

    j_row = lax.broadcasted_iota(jnp.int32, (1, m), 1)
    cnt_cols = []
    for r in range(nr):
        a = m_col[r * _ROW_BLK:(r + 1) * _ROW_BLK, :]
        i_col = (lax.broadcasted_iota(jnp.int32, (_ROW_BLK, 1), 0)
                 + jnp.int32(r * _ROW_BLK))
        beats = (m_row > a) | ((m_row == a) & (j_row < i_col))
        cnt_cols.append(jnp.sum(_fold(jnp.where(beats, 1.0, 0.0), jnp.add),
                                axis=1, keepdims=True))
    cnt_col = jnp.concatenate(cnt_cols, axis=0)
    cnt_row = cnt_col.reshape(1, m)

    rid = lax.broadcasted_iota(jnp.int32, (u_pad, 1), 0).astype(jnp.float32)
    onehot = jnp.where((cnt_row == rid) & (rid < u), 1.0, 0.0)
    qbar = lax.dot_general(onehot, q_ref[0], (((1,), (0,)), ((), ())),
                           preferred_element_type=jnp.float32)

    s2 = lax.dot_general(qbar, k_all, (((1,), (1,)), ((), ())),
                         preferred_element_type=jnp.float32)
    s2 = s2 * jnp.float32(1.0 / math.sqrt(d))
    s2 = s2 - jnp.max(s2, axis=1, keepdims=True)
    e = jnp.exp(s2)
    p = e / jnp.sum(e, axis=1, keepdims=True)
    s1 = lax.dot_general(p, v_ref[0], (((1,), (0,)), ((), ())),
                         preferred_element_type=jnp.float32)

    for r in range(nr):
        ob = onehot[:, r * _ROW_BLK:(r + 1) * _ROW_BLK]
        cb = lax.dot_general(ob, s1, (((0,), (0,)), ((), ())),
                             precision=lax.Precision.HIGHEST,
                             preferred_element_type=jnp.float32)
        memb = cnt_cols[r] < u
        vb = v_ref[0, r * _ROW_BLK:(r + 1) * _ROW_BLK, :]
        vmb = jnp.sum(vb, axis=1, keepdims=True) * jnp.float32(1.0 / d)
        out_ref[0, r * _ROW_BLK:(r + 1) * _ROW_BLK, :] = (
            jnp.where(memb, cb, vmb))


def kernel(Q, K, V, rng):
    B, m, d = Q.shape
    n = K.shape[1]
    U = int(m * math.log(n))
    UP = ((U + 8 * _NSUB - 1) // (8 * _NSUB)) * (8 * _NSUB)

    rng_batch = jax.random.split(rng, B)
    idx = jax.vmap(
        lambda r: jax.random.choice(r, n, shape=(U,), replace=True))(rng_batch)
    idx_pad = jnp.pad(idx.astype(jnp.int32), ((0, 0), (0, UP - U)),
                      constant_values=-1)
    hist = _sc_histogram(idx_pad.reshape(-1), B, n)

    out = pl.pallas_call(
        functools.partial(_attn_body, inv_u=1.0 / U),
        grid=(B,),
        in_specs=[
            pl.BlockSpec((1, m, d), lambda b: (b, 0, 0)),
            pl.BlockSpec((1, n, d), lambda b: (b, 0, 0)),
            pl.BlockSpec((1, n, d), lambda b: (b, 0, 0)),
            pl.BlockSpec((1, _NSUB, n), lambda b: (b, 0, 0)),
        ],
        out_specs=pl.BlockSpec((1, m, d), lambda b: (b, 0, 0)),
        out_shape=jax.ShapeDtypeStruct((B, m, d), jnp.float32),
    )(Q, K, V, hist)
    return out

# --- scband reference (transcript-rebuilt; emitter-appended) ---
"""Pipeline reference for scband-prob-sparse-attention-74174085202107 (READ-ONLY COPY).

The authoritative reference and input builder live on the scoring server;
editing this copy changes nothing except your own understanding.
"""

import jax, jax.numpy as jnp
import numpy as np
import math


def setup_inputs(seed: int = 0) -> dict:
    key = jax.random.key(seed)
    kq, kk, kv = jax.random.split(key, 3)
    B, L, d = 2, 1024, 512
    Q = jax.random.normal(kq, (B, L, d), dtype=jnp.float32)
    K = jax.random.normal(kk, (B, L, d), dtype=jnp.float32)
    V = jax.random.normal(kv, (B, L, d), dtype=jnp.float32)
    rng = jax.random.PRNGKey(42)
    return {"Q": Q, "K": K, "V": V, "rng": rng}


def reference(Q, K, V, rng):
    c = 10
    B = int(Q.shape[0])
    m = int(Q.shape[1])
    n = int(K.shape[1])
    d = int(Q.shape[2])
    u = int(c * math.log(m))
    U = int(m * math.log(n))

    def _each_sample(_Q, _K, _V, _rng):
        # sample U key rows (module intent; U > n so sampling is with replacement)
        idx = jax.random.choice(_rng, n, shape=(U,), replace=True)
        _Kbar = _K[idx, :]                                   # [U, d]
        _Sbar = jnp.matmul(_Q, jnp.transpose(_Kbar, (1, 0)))  # [m, U]
        _M = jnp.max(_Sbar, axis=1) - jnp.mean(_Sbar, axis=1)  # [m]
        _, _I = jax.lax.top_k(_M, u)                          # [u]
        _Qbar = _Q[_I, :]                                     # [u, d]
        _QbarK = jnp.matmul(_Qbar, jnp.transpose(_K, (1, 0)))  # [u, n]
        _S1 = jnp.matmul(jax.nn.softmax(_QbarK / math.sqrt(d), axis=-1), _V)  # [u, d]
        _S = jnp.zeros((m, d), dtype=Q.dtype)
        _S = _S.at[:, :].set(jnp.mean(_V, axis=1, keepdims=True))
        _S = _S.at[_I, :].set(_S1)
        return _S

    rng_batch = jax.random.split(rng, B)
    S = jax.vmap(_each_sample)(Q, K, V, rng_batch)
    return S

if __name__ == "__main__":
    import jax
    _d = setup_inputs()
    print(jax.jit(kernel)(*tuple(_d.values())))

</pallas_src>

<mosaic_0001>
#map = affine_map<(d0, d1) -> (0)>
module attributes {stable_mosaic.version = 14 : i64} {
  func.func @_sc_hist_body(%arg0: i32, %arg1: i32, %arg2: memref<14336xi32, #tpu.memory_space<hbm>>, %arg3: memref<32768xf32, #tpu.memory_space<hbm>>, %arg4: memref<448xi32, #tpu.memory_space<vmem>>, %arg5: memref<1024xf32, #tpu.memory_space<vmem>>) attributes {dimension_semantics = [#tpu.dimension_semantics<core_parallel>, #tpu.dimension_semantics<subcore_parallel>], iteration_bounds = array<i64: 2, 16>, scalar_prefetch = 0 : i64, scratch_operands = 2 : i64, tpu.core_type = #tpu.core_type<sc_vector_subcore>, window_params = [{transform_indices = #map}, {transform_indices = #map}]} {
    %broadcast_in_dim3A = arith.constant 0.000000e+00 : f32
    %broadcast_in_dim3A_0 = vector.broadcast %broadcast_in_dim3A : f32 to vector<16xf32>
    %swap3A = arith.constant 0 : index
    %swap3A_1 = tpu.vector_load %arg5[%swap3A] {strides = array<i32>} : memref<1024xf32, #tpu.memory_space<vmem>>, vector<16xf32>,
    tpu.vector_store %arg5[%swap3A], %broadcast_in_dim3A_0 {strides = array<i32>} : memref<1024xf32, #tpu.memory_space<vmem>>, vector<16xf32>,
    %swap3A_2 = arith.constant 16 : index
    %swap3A_3 = tpu.vector_load %arg5[%swap3A_2] {strides = array<i32>} : memref<1024xf32, #tpu.memory_space<vmem>>, vector<16xf32>,
    tpu.vector_store %arg5[%swap3A_2], %broadcast_in_dim3A_0 {strides = array<i32>} : memref<1024xf32, #tpu.memory_space<vmem>>, vector<16xf32>,
    %swap3A_4 = arith.constant 32 : index
    %swap3A_5 = tpu.vector_load %arg5[%swap3A_4] {strides = array<i32>} : memref<1024xf32, #tpu.memory_space<vmem>>, vector<16xf32>,
    tpu.vector_store %arg5[%swap3A_4], %broadcast_in_dim3A_0 {strides = array<i32>} : memref<1024xf32, #tpu.memory_space<vmem>>, vector<16xf32>,
    %swap3A_6 = arith.constant 48 : index
    %swap3A_7 = tpu.vector_load %arg5[%swap3A_6] {strides = array<i32>} : memref<1024xf32, #tpu.memory_space<vmem>>, vector<16xf32>,
    tpu.vector_store %arg5[%swap3A_6], %broadcast_in_dim3A_0 {strides = array<i32>} : memref<1024xf32, #tpu.memory_space<vmem>>, vector<16xf32>,
    %swap3A_8 = arith.constant 64 : index
    %swap3A_9 = tpu.vector_load %arg5[%swap3A_8] {strides = array<i32>} : memref<1024xf32, #tpu.memory_space<vmem>>, vector<16xf32>,
    tpu.vector_store %arg5[%swap3A_8], %broadcast_in_dim3A_0 {strides = array<i32>} : memref<1024xf32, #tpu.memory_space<vmem>>, vector<16xf32>,
    %swap3A_10 = arith.constant 80 : index
    %swap3A_11 = tpu.vector_load %arg5[%swap3A_10] {strides = array<i32>} : memref<1024xf32, #tpu.memory_space<vmem>>, vector<16xf32>,
    tpu.vector_store %arg5[%swap3A_10], %broadcast_in_dim3A_0 {strides = array<i32>} : memref<1024xf32, #tpu.memory_space<vmem>>, vector<16xf32>,
    %swap3A_12 = arith.constant 96 : index
    %swap3A_13 = tpu.vector_load %arg5[%swap3A_12] {strides = array<i32>} : memref<1024xf32, #tpu.memory_space<vmem>>, vector<16xf32>,
    tpu.vector_store %arg5[%swap3A_12], %broadcast_in_dim3A_0 {strides = array<i32>} : memref<1024xf32, #tpu.memory_space<vmem>>, vector<16xf32>,
    %swap3A_14 = arith.constant 112 : index
    %swap3A_15 = tpu.vector_load %arg5[%swap3A_14] {strides = array<i32>} : memref<1024xf32, #tpu.memory_space<vmem>>, vector<16xf32>,
    tpu.vector_store %arg5[%swap3A_14], %broadcast_in_dim3A_0 {strides = array<i32>} : memref<1024xf32, #tpu.memory_space<vmem>>, vector<16xf32>,
    %swap3A_16 = arith.constant 128 : index
    %swap3A_17 = tpu.vector_load %arg5[%swap3A_16] {strides = array<i32>} : memref<1024xf32, #tpu.memory_space<vmem>>, vector<16xf32>,
    tpu.vector_store %arg5[%swap3A_16], %broadcast_in_dim3A_0 {strides = array<i32>} : memref<1024xf32, #tpu.memory_space<vmem>>, vector<16xf32>,
    %swap3A_18 = arith.constant 144 : index
    %swap3A_19 = tpu.vector_load %arg5[%swap3A_18] {strides = array<i32>} : memref<1024xf32, #tpu.memory_space<vmem>>, vector<16xf32>,
    tpu.vector_store %arg5[%swap3A_18], %broadcast_in_dim3A_0 {strides = array<i32>} : memref<1024xf32, #tpu.memory_space<vmem>>, vector<16xf32>,
    %swap3A_20 = arith.constant 160 : index
    %swap3A_21 = tpu.vector_load %arg5[%swap3A_20] {strides = array<i32>} : memref<1024xf32, #tpu.memory_space<vmem>>, vector<16xf32>,
    tpu.vector_store %arg5[%swap3A_20], %broadcast_in_dim3A_0 {strides = array<i32>} : memref<1024xf32, #tpu.memory_space<vmem>>, vector<16xf32>,
    %swap3A_22 = arith.constant 176 : index
    %swap3A_23 = tpu.vector_load %arg5[%swap3A_22] {strides = array<i32>} : memref<1024xf32, #tpu.memory_space<vmem>>, vector<16xf32>,
    tpu.vector_store %arg5[%swap3A_22], %broadcast_in_dim3A_0 {strides = array<i32>} : memref<1024xf32, #tpu.memory_space<vmem>>, vector<16xf32>,
    %swap3A_24 = arith.constant 192 : index
    %swap3A_25 = tpu.vector_load %arg5[%swap3A_24] {strides = array<i32>} : memref<1024xf32, #tpu.memory_space<vmem>>, vector<16xf32>,
    tpu.vector_store %arg5[%swap3A_24], %broadcast_in_dim3A_0 {strides = array<i32>} : memref<1024xf32, #tpu.memory_space<vmem>>, vector<16xf32>,
    %swap3A_26 = arith.constant 208 : index
    %swap3A_27 = tpu.vector_load %arg5[%swap3A_26] {strides = array<i32>} : memref<1024xf32, #tpu.memory_space<vmem>>, vector<16xf32>,
    tpu.vector_store %arg5[%swap3A_26], %broadcast_in_dim3A_0 {strides = array<i32>} : memref<1024xf32, #tpu.memory_space<vmem>>, vector<16xf32>,
    %swap3A_28 = arith.constant 224 : index
    %swap3A_29 = tpu.vector_load %arg5[%swap3A_28] {strides = array<i32>} : memref<1024xf32, #tpu.memory_space<vmem>>, vector<16xf32>,
    tpu.vector_store %arg5[%swap3A_28], %broadcast_in_dim3A_0 {strides = array<i32>} : memref<1024xf32, #tpu.memory_space<vmem>>, vector<16xf32>,
    %swap3A_30 = arith.constant 240 : index
    %swap3A_31 = tpu.vector_load %arg5[%swap3A_30] {strides = array<i32>} : memref<1024xf32, #tpu.memory_space<vmem>>, vector<16xf32>,
    tpu.vector_store %arg5[%swap3A_30], %broadcast_in_dim3A_0 {strides = array<i32>} : memref<1024xf32, #tpu.memory_space<vmem>>, vector<16xf32>,
    %swap3A_32 = arith.constant 256 : index
    %swap3A_33 = tpu.vector_load %arg5[%swap3A_32] {strides = array<i32>} : memref<1024xf32, #tpu.memory_space<vmem>>, vector<16xf32>,
    tpu.vector_store %arg5[%swap3A_32], %broadcast_in_dim3A_0 {strides = array<i32>} : memref<1024xf32, #tpu.memory_space<vmem>>, vector<16xf32>,
    %swap3A_34 = arith.constant 272 : index
    %swap3A_35 = tpu.vector_load %arg5[%swap3A_34] {strides = array<i32>} : memref<1024xf32, #tpu.memory_space<vmem>>, vector<16xf32>,
    tpu.vector_store %arg5[%swap3A_34], %broadcast_in_dim3A_0 {strides = array<i32>} : memref<1024xf32, #tpu.memory_space<vmem>>, vector<16xf32>,
    %swap3A_36 = arith.constant 288 : index
    %swap3A_37 = tpu.vector_load %arg5[%swap3A_36] {strides = array<i32>} : memref<1024xf32, #tpu.memory_space<vmem>>, vector<16xf32>,
    tpu.vector_store %arg5[%swap3A_36], %broadcast_in_dim3A_0 {strides = array<i32>} : memref<1024xf32, #tpu.memory_space<vmem>>, vector<16xf32>,
    %swap3A_38 = arith.constant 304 : index
    %swap3A_39 = tpu.vector_load %arg5[%swap3A_38] {strides = array<i32>} : memref<1024xf32, #tpu.memory_space<vmem>>, vector<16xf32>,
    tpu.vector_store %arg5[%swap3A_38], %broadcast_in_dim3A_0 {strides = array<i32>} : memref<1024xf32, #tpu.memory_space<vmem>>, vector<16xf32>,
    %swap3A_40 = arith.constant 320 : index
    %swap3A_41 = tpu.vector_load %arg5[%swap3A_40] {strides = array<i32>} : memref<1024xf32, #tpu.memory_space<vmem>>, vector<16xf32>,
    tpu.vector_store %arg5[%swap3A_40], %broadcast_in_dim3A_0 {strides = array<i32>} : memref<1024xf32, #tpu.memory_space<vmem>>, vector<16xf32>,
    %swap3A_42 = arith.constant 336 : index
    %swap3A_43 = tpu.vector_load %arg5[%swap3A_42] {strides = array<i32>} : memref<1024xf32, #tpu.memory_space<vmem>>, vector<16xf32>,
    tpu.vector_store %arg5[%swap3A_42], %broadcast_in_dim3A_0 {strides = array<i32>} : memref<1024xf32, #tpu.memory_space<vmem>>, vector<16xf32>,
    %swap3A_44 = arith.constant 352 : index
    %swap3A_45 = tpu.vector_load %arg5[%swap3A_44] {strides = array<i32>} : memref<1024xf32, #tpu.memory_space<vmem>>, vector<16xf32>,
    tpu.vector_store %arg5[%swap3A_44], %broadcast_in_dim3A_0 {strides = array<i32>} : memref<1024xf32, #tpu.memory_space<vmem>>, vector<16xf32>,
    %swap3A_46 = arith.constant 368 : index
    %swap3A_47 = tpu.vector_load %arg5[%swap3A_46] {strides = array<i32>} : memref<1024xf32, #tpu.memory_space<vmem>>, vector<16xf32>,
    tpu.vector_store %arg5[%swap3A_46], %broadcast_in_dim3A_0 {strides = array<i32>} : memref<1024xf32, #tpu.memory_space<vmem>>, vector<16xf32>,
    %swap3A_48 = arith.constant 384 : index
    %swap3A_49 = tpu.vector_load %arg5[%swap3A_48] {strides = array<i32>} : memref<1024xf32, #tpu.memory_space<vmem>>, vector<16xf32>,
    tpu.vector_store %arg5[%swap3A_48], %broadcast_in_dim3A_0 {strides = array<i32>} : memref<1024xf32, #tpu.memory_space<vmem>>, vector<16xf32>,
    %swap3A_50 = arith.constant 400 : index
    %swap3A_51 = tpu.vector_load %arg5[%swap3A_50] {strides = array<i32>} : memref<1024xf32, #tpu.memory_space<vmem>>, vector<16xf32>,
    tpu.vector_store %arg5[%swap3A_50], %broadcast_in_dim3A_0 {strides = array<i32>} : memref<1024xf32, #tpu.memory_space<vmem>>, vector<16xf32>,
    %swap3A_52 = arith.constant 416 : index
    %swap3A_53 = tpu.vector_load %arg5[%swap3A_52] {strides = array<i32>} : memref<1024xf32, #tpu.memory_space<vmem>>, vector<16xf32>,
    tpu.vector_store %arg5[%swap3A_52], %broadcast_in_dim3A_0 {strides = array<i32>} : memref<1024xf32, #tpu.memory_space<vmem>>, vector<16xf32>,
    %swap3A_54 = arith.constant 432 : index
    %swap3A_55 = tpu.vector_load %arg5[%swap3A_54] {strides = array<i32>} : memref<1024xf32, #tpu.memory_space<vmem>>, vector<16xf32>,
    tpu.vector_store %arg5[%swap3A_54], %broadcast_in_dim3A_0 {strides = array<i32>} : memref<1024xf32, #tpu.memory_space<vmem>>, vector<16xf32>,
    %swap3A_56 = arith.constant 448 : index
    %swap3A_57 = tpu.vector_load %arg5[%swap3A_56] {strides = array<i32>} : memref<1024xf32, #tpu.memory_space<vmem>>, vector<16xf32>,
    tpu.vector_store %arg5[%swap3A_56], %broadcast_in_dim3A_0 {strides = array<i32>} : memref<1024xf32, #tpu.memory_space<vmem>>, vector<16xf32>,
    %swap3A_58 = arith.constant 464 : index
    %swap3A_59 = tpu.vector_load %arg5[%swap3A_58] {strides = array<i32>} : memref<1024xf32, #tpu.memory_space<vmem>>, vector<16xf32>,
    tpu.vector_store %arg5[%swap3A_58], %broadcast_in_dim3A_0 {strides = array<i32>} : memref<1024xf32, #tpu.memory_space<vmem>>, vector<16xf32>,
    %swap3A_60 = arith.constant 480 : index
    %swap3A_61 = tpu.vector_load %arg5[%swap3A_60] {strides = array<i32>} : memref<1024xf32, #tpu.memory_space<vmem>>, vector<16xf32>,
    tpu.vector_store %arg5[%swap3A_60], %broadcast_in_dim3A_0 {strides = array<i32>} : memref<1024xf32, #tpu.memory_space<vmem>>, vector<16xf32>,
    %swap3A_62 = arith.constant 496 : index
    %swap3A_63 = tpu.vector_load %arg5[%swap3A_62] {strides = array<i32>} : memref<1024xf32, #tpu.memory_space<vmem>>, vector<16xf32>,
    tpu.vector_store %arg5[%swap3A_62], %broadcast_in_dim3A_0 {strides = array<i32>} : memref<1024xf32, #tpu.memory_space<vmem>>, vector<16xf32>,
    %swap3A_64 = arith.constant 512 : index
    %swap3A_65 = tpu.vector_load %arg5[%swap3A_64] {strides = array<i32>} : memref<1024xf32, #tpu.memory_space<vmem>>, vector<16xf32>,
    tpu.vector_store %arg5[%swap3A_64], %broadcast_in_dim3A_0 {strides = array<i32>} : memref<1024xf32, #tpu.memory_space<vmem>>, vector<16xf32>,
    %swap3A_66 = arith.constant 528 : index
    %swap3A_67 = tpu.vector_load %arg5[%swap3A_66] {strides = array<i32>} : memref<1024xf32, #tpu.memory_space<vmem>>, vector<16xf32>,
    tpu.vector_store %arg5[%swap3A_66], %broadcast_in_dim3A_0 {strides = array<i32>} : memref<1024xf32, #tpu.memory_space<vmem>>, vector<16xf32>,
    %swap3A_68 = arith.constant 544 : index
    %swap3A_69 = tpu.vector_load %arg5[%swap3A_68] {strides = array<i32>} : memref<1024xf32, #tpu.memory_space<vmem>>, vector<16xf32>,
    tpu.vector_store %arg5[%swap3A_68], %broadcast_in_dim3A_0 {strides = array<i32>} : memref<1024xf32, #tpu.memory_space<vmem>>, vector<16xf32>,
    %swap3A_70 = arith.constant 560 : index
    %swap3A_71 = tpu.vector_load %arg5[%swap3A_70] {strides = array<i32>} : memref<1024xf32, #tpu.memory_space<vmem>>, vector<16xf32>,
    tpu.vector_store %arg5[%swap3A_70], %broadcast_in_dim3A_0 {strides = array<i32>} : memref<1024xf32, #tpu.memory_space<vmem>>, vector<16xf32>,
    %swap3A_72 = arith.constant 576 : index
    %swap3A_73 = tpu.vector_load %arg5[%swap3A_72] {strides = array<i32>} : memref<1024xf32, #tpu.memory_space<vmem>>, vector<16xf32>,
    tpu.vector_store %arg5[%swap3A_72], %broadcast_in_dim3A_0 {strides = array<i32>} : memref<1024xf32, #tpu.memory_space<vmem>>, vector<16xf32>,
    %swap3A_74 = arith.constant 592 : index
    %swap3A_75 = tpu.vector_load %arg5[%swap3A_74] {strides = array<i32>} : memref<1024xf32, #tpu.memory_space<vmem>>, vector<16xf32>,
    tpu.vector_store %arg5[%swap3A_74], %broadcast_in_dim3A_0 {strides = array<i32>} : memref<1024xf32, #tpu.memory_space<vmem>>, vector<16xf32>,
    %swap3A_76 = arith.constant 608 : index
    %swap3A_77 = tpu.vector_load %arg5[%swap3A_76] {strides = array<i32>} : memref<1024xf32, #tpu.memory_space<vmem>>, vector<16xf32>,
    tpu.vector_store %arg5[%swap3A_76], %broadcast_in_dim3A_0 {strides = array<i32>} : memref<1024xf32, #tpu.memory_space<vmem>>, vector<16xf32>,
    %swap3A_78 = arith.constant 624 : index
    %swap3A_79 = tpu.vector_load %arg5[%swap3A_78] {strides = array<i32>} : memref<1024xf32, #tpu.memory_space<vmem>>, vector<16xf32>,
    tpu.vector_store %arg5[%swap3A_78], %broadcast_in_dim3A_0 {strides = array<i32>} : memref<1024xf32, #tpu.memory_space<vmem>>, vector<16xf32>,
    %swap3A_80 = arith.constant 640 : index
    %swap3A_81 = tpu.vector_load %arg5[%swap3A_80] {strides = array<i32>} : memref<1024xf32, #tpu.memory_space<vmem>>, vector<16xf32>,
    tpu.vector_store %arg5[%swap3A_80], %broadcast_in_dim3A_0 {strides = array<i32>} : memref<1024xf32, #tpu.memory_space<vmem>>, vector<16xf32>,
    %swap3A_82 = arith.constant 656 : index
    %swap3A_83 = tpu.vector_load %arg5[%swap3A_82] {strides = array<i32>} : memref<1024xf32, #tpu.memory_space<vmem>>, vector<16xf32>,
    tpu.vector_store %arg5[%swap3A_82], %broadcast_in_dim3A_0 {strides = array<i32>} : memref<1024xf32, #tpu.memory_space<vmem>>, vector<16xf32>,
    %swap3A_84 = arith.constant 672 : index
    %swap3A_85 = tpu.vector_load %arg5[%swap3A_84] {strides = array<i32>} : memref<1024xf32, #tpu.memory_space<vmem>>, vector<16xf32>,
    tpu.vector_store %arg5[%swap3A_84], %broadcast_in_dim3A_0 {strides = array<i32>} : memref<1024xf32, #tpu.memory_space<vmem>>, vector<16xf32>,
    %swap3A_86 = arith.constant 688 : index
    %swap3A_87 = tpu.vector_load %arg5[%swap3A_86] {strides = array<i32>} : memref<1024xf32, #tpu.memory_space<vmem>>, vector<16xf32>,
    tpu.vector_store %arg5[%swap3A_86], %broadcast_in_dim3A_0 {strides = array<i32>} : memref<1024xf32, #tpu.memory_space<vmem>>, vector<16xf32>,
    %swap3A_88 = arith.constant 704 : index
    %swap3A_89 = tpu.vector_load %arg5[%swap3A_88] {strides = array<i32>} : memref<1024xf32, #tpu.memory_space<vmem>>, vector<16xf32>,
    tpu.vector_store %arg5[%swap3A_88], %broadcast_in_dim3A_0 {strides = array<i32>} : memref<1024xf32, #tpu.memory_space<vmem>>, vector<16xf32>,
    %swap3A_90 = arith.constant 720 : index
    %swap3A_91 = tpu.vector_load %arg5[%swap3A_90] {strides = array<i32>} : memref<1024xf32, #tpu.memory_space<vmem>>, vector<16xf32>,
    tpu.vector_store %arg5[%swap3A_90], %broadcast_in_dim3A_0 {strides = array<i32>} : memref<1024xf32, #tpu.memory_space<vmem>>, vector<16xf32>,
    %swap3A_92 = arith.constant 736 : index
    %swap3A_93 = tpu.vector_load %arg5[%swap3A_92] {strides = array<i32>} : memref<1024xf32, #tpu.memory_space<vmem>>, vector<16xf32>,
    tpu.vector_store %arg5[%swap3A_92], %broadcast_in_dim3A_0 {strides = array<i32>} : memref<1024xf32, #tpu.memory_space<vmem>>, vector<16xf32>,
    %swap3A_94 = arith.constant 752 : index
    %swap3A_95 = tpu.vector_load %arg5[%swap3A_94] {strides = array<i32>} : memref<1024xf32, #tpu.memory_space<vmem>>, vector<16xf32>,
    tpu.vector_store %arg5[%swap3A_94], %broadcast_in_dim3A_0 {strides = array<i32>} : memref<1024xf32, #tpu.memory_space<vmem>>, vector<16xf32>,
    %swap3A_96 = arith.constant 768 : index
    %swap3A_97 = tpu.vector_load %arg5[%swap3A_96] {strides = array<i32>} : memref<1024xf32, #tpu.memory_space<vmem>>, vector<16xf32>,
    tpu.vector_store %arg5[%swap3A_96], %broadcast_in_dim3A_0 {strides = array<i32>} : memref<1024xf32, #tpu.memory_space<vmem>>, vector<16xf32>,
    %swap3A_98 = arith.constant 784 : index
    %swap3A_99 = tpu.vector_load %arg5[%swap3A_98] {strides = array<i32>} : memref<1024xf32, #tpu.memory_space<vmem>>, vector<16xf32>,
    tpu.vector_store %arg5[%swap3A_98], %broadcast_in_dim3A_0 {strides = array<i32>} : memref<1024xf32, #tpu.memory_space<vmem>>, vector<16xf32>,
    %swap3A_100 = arith.constant 800 : index
    %swap3A_101 = tpu.vector_load %arg5[%swap3A_100] {strides = array<i32>} : memref<1024xf32, #tpu.memory_space<vmem>>, vector<16xf32>,
    tpu.vector_store %arg5[%swap3A_100], %broadcast_in_dim3A_0 {strides = array<i32>} : memref<1024xf32, #tpu.memory_space<vmem>>, vector<16xf32>,
    %swap3A_102 = arith.constant 816 : index
    %swap3A_103 = tpu.vector_load %arg5[%swap3A_102] {strides = array<i32>} : memref<1024xf32, #tpu.memory_space<vmem>>, vector<16xf32>,
    tpu.vector_store %arg5[%swap3A_102], %broadcast_in_dim3A_0 {strides = array<i32>} : memref<1024xf32, #tpu.memory_space<vmem>>, vector<16xf32>,
    %swap3A_104 = arith.constant 832 : index
    %swap3A_105 = tpu.vector_load %arg5[%swap3A_104] {strides = array<i32>} : memref<1024xf32, #tpu.memory_space<vmem>>, vector<16xf32>,
    tpu.vector_store %arg5[%swap3A_104], %broadcast_in_dim3A_0 {strides = array<i32>} : memref<1024xf32, #tpu.memory_space<vmem>>, vector<16xf32>,
    %swap3A_106 = arith.constant 848 : index
    %swap3A_107 = tpu.vector_load %arg5[%swap3A_106] {strides = array<i32>} : memref<1024xf32, #tpu.memory_space<vmem>>, vector<16xf32>,
    tpu.vector_store %arg5[%swap3A_106], %broadcast_in_dim3A_0 {strides = array<i32>} : memref<1024xf32, #tpu.memory_space<vmem>>, vector<16xf32>,
    %swap3A_108 = arith.constant 864 : index
    %swap3A_109 = tpu.vector_load %arg5[%swap3A_108] {strides = array<i32>} : memref<1024xf32, #tpu.memory_space<vmem>>, vector<16xf32>,
    tpu.vector_store %arg5[%swap3A_108], %broadcast_in_dim3A_0 {strides = array<i32>} : memref<1024xf32, #tpu.memory_space<vmem>>, vector<16xf32>,
    %swap3A_110 = arith.constant 880 : index
    %swap3A_111 = tpu.vector_load %arg5[%swap3A_110] {strides = array<i32>} : memref<1024xf32, #tpu.memory_space<vmem>>, vector<16xf32>,
    tpu.vector_store %arg5[%swap3A_110], %broadcast_in_dim3A_0 {strides = array<i32>} : memref<1024xf32, #tpu.memory_space<vmem>>, vector<16xf32>,
    %swap3A_112 = arith.constant 896 : index
    %swap3A_113 = tpu.vector_load %arg5[%swap3A_112] {strides = array<i32>} : memref<1024xf32, #tpu.memory_space<vmem>>, vector<16xf32>,
    tpu.vector_store %arg5[%swap3A_112], %broadcast_in_dim3A_0 {strides = array<i32>} : memref<1024xf32, #tpu.memory_space<vmem>>, vector<16xf32>,
    %swap3A_114 = arith.constant 912 : index
    %swap3A_115 = tpu.vector_load %arg5[%swap3A_114] {strides = array<i32>} : memref<1024xf32, #tpu.memory_space<vmem>>, vector<16xf32>,
    tpu.vector_store %arg5[%swap3A_114], %broadcast_in_dim3A_0 {strides = array<i32>} : memref<1024xf32, #tpu.memory_space<vmem>>, vector<16xf32>,
    %swap3A_116 = arith.constant 928 : index
    %swap3A_117 = tpu.vector_load %arg5[%swap3A_116] {strides = array<i32>} : memref<1024xf32, #tpu.memory_space<vmem>>, vector<16xf32>,
    tpu.vector_store %arg5[%swap3A_116], %broadcast_in_dim3A_0 {strides = array<i32>} : memref<1024xf32, #tpu.memory_space<vmem>>, vector<16xf32>,
    %swap3A_118 = arith.constant 944 : index
    %swap3A_119 = tpu.vector_load %arg5[%swap3A_118] {strides = array<i32>} : memref<1024xf32, #tpu.memory_space<vmem>>, vector<16xf32>,
    tpu.vector_store %arg5[%swap3A_118], %broadcast_in_dim3A_0 {strides = array<i32>} : memref<1024xf32, #tpu.memory_space<vmem>>, vector<16xf32>,
    %swap3A_120 = arith.constant 960 : index
    %swap3A_121 = tpu.vector_load %arg5[%swap3A_120] {strides = array<i32>} : memref<1024xf32, #tpu.memory_space<vmem>>, vector<16xf32>,
    tpu.vector_store %arg5[%swap3A_120], %broadcast_in_dim3A_0 {strides = array<i32>} : memref<1024xf32, #tpu.memory_space<vmem>>, vector<16xf32>,
    %swap3A_122 = arith.constant 976 : index
    %swap3A_123 = tpu.vector_load %arg5[%swap3A_122] {strides = array<i32>} : memref<1024xf32, #tpu.memory_space<vmem>>, vector<16xf32>,
    tpu.vector_store %arg5[%swap3A_122], %broadcast_in_dim3A_0 {strides = array<i32>} : memref<1024xf32, #tpu.memory_space<vmem>>, vector<16xf32>,
    %swap3A_124 = arith.constant 992 : index
    %swap3A_125 = tpu.vector_load %arg5[%swap3A_124] {strides = array<i32>} : memref<1024xf32, #tpu.memory_space<vmem>>, vector<16xf32>,
    tpu.vector_store %arg5[%swap3A_124], %broadcast_in_dim3A_0 {strides = array<i32>} : memref<1024xf32, #tpu.memory_space<vmem>>, vector<16xf32>,
    %swap3A_126 = arith.constant 1008 : index
    %swap3A_127 = tpu.vector_load %arg5[%swap3A_126] {strides = array<i32>} : memref<1024xf32, #tpu.memory_space<vmem>>, vector<16xf32>,
    tpu.vector_store %arg5[%swap3A_126], %broadcast_in_dim3A_0 {strides = array<i32>} : memref<1024xf32, #tpu.memory_space<vmem>>, vector<16xf32>,
    %mul3A = arith.constant 7168 : i32
    %mul3A_128 = arith.muli %arg0, %mul3A : i32
    %mul3A_129 = arith.constant 448 : i32
    %mul3A_130 = arith.muli %arg1, %mul3A_129 : i32
    %add3A = arith.addi %mul3A_128, %mul3A_130 : i32
    "tpu.region"() ({
      %run_scoped3A = tpu.sem_alloc : memref<!tpu.dma_semaphore, #tpu.memory_space<semaphore_mem>>
      %dma_start3A = tpu.memref_slice %arg2[%add3A] : memref<14336xi32, #tpu.memory_space<hbm>> -> memref<448xi32, #tpu.memory_space<hbm>>
      %dma_start3A_359 = tpu.memref_slice %arg2[%add3A] : memref<14336xi32, #tpu.memory_space<hbm>> -> memref<448xi32, #tpu.memory_space<hbm>>
      tpu.enqueue_dma source(%dma_start3A_359 : memref<448xi32, #tpu.memory_space<hbm>>) target(%arg4 : memref<448xi32, #tpu.memory_space<vmem>>) target_semaphore(%run_scoped3A : memref<!tpu.dma_semaphore, #tpu.memory_space<semaphore_mem>>)
      %dma_wait3A = tpu.memref_slice %arg2[%add3A] : memref<14336xi32, #tpu.memory_space<hbm>> -> memref<448xi32, #tpu.memory_space<hbm>>
      %dma_wait3A_360 = tpu.memref_slice %arg2[%add3A] : memref<14336xi32, #tpu.memory_space<hbm>> -> memref<448xi32, #tpu.memory_space<hbm>>
      tpu.wait_dma2 semaphore(%run_scoped3A : memref<!tpu.dma_semaphore, #tpu.memory_space<semaphore_mem>>) src(%dma_wait3A_360 : memref<448xi32, #tpu.memory_space<hbm>>) dst(%arg4 : memref<448xi32, #tpu.memory_space<vmem>>)
      tpu.yield
    }) : () -> ()
    %broadcast_in_dim3A_131 = arith.constant 1.000000e+00 : f32
    %broadcast_in_dim3A_132 = vector.broadcast %broadcast_in_dim3A_131 : f32 to vector<16xf32>
    %get3A = arith.constant 0 : index
    %get3A_133 = tpu.vector_load %arg4[%get3A] {strides = array<i32>} : memref<448xi32, #tpu.memory_space<vmem>>, vector<16xi32>,
    %max3A = arith.constant 0 : i32
    %max3A_134 = vector.broadcast %max3A : i32 to vector<16xi32>
    %max3A_135 = arith.maxsi %get3A_133, %max3A_134 : vector<16xi32>
    %ge3A = arith.constant 0 : i32
    %ge3A_136 = vector.broadcast %ge3A : i32 to vector<16xi32>
    %ge3A_137 = arith.cmpi sge, %get3A_133, %ge3A_136 : vector<16xi32>
    tpu.vector_store_idx %arg5[%max3A_135], %broadcast_in_dim3A_132 masked %ge3A_137 {add = true} : memref<1024xf32, #tpu.memory_space<vmem>>[vector<16xi32>], vector<16xf32>, vector<16xi1>
    %get3A_138 = arith.constant 16 : index
    %get3A_139 = tpu.vector_load %arg4[%get3A_138] {strides = array<i32>} : memref<448xi32, #tpu.memory_space<vmem>>, vector<16xi32>,
    %max3A_140 = arith.constant 0 : i32
    %max3A_141 = vector.broadcast %max3A_140 : i32 to vector<16xi32>
    %max3A_142 = arith.maxsi %get3A_139, %max3A_141 : vector<16xi32>
    %ge3A_143 = arith.constant 0 : i32
    %ge3A_144 = vector.broadcast %ge3A_143 : i32 to vector<16xi32>
    %ge3A_145 = arith.cmpi sge, %get3A_139, %ge3A_144 : vector<16xi32>
    tpu.vector_store_idx %arg5[%max3A_142], %broadcast_in_dim3A_132 masked %ge3A_145 {add = true} : memref<1024xf32, #tpu.memory_space<vmem>>[vector<16xi32>], vector<16xf32>, vector<16xi1>
    %get3A_146 = arith.constant 32 : index
    %get3A_147 = tpu.vector_load %arg4[%get3A_146] {strides = array<i32>} : memref<448xi32, #tpu.memory_space<vmem>>, vector<16xi32>,
    %max3A_148 = arith.constant 0 : i32
    %max3A_149 = vector.broadcast %max3A_148 : i32 to vector<16xi32>
    %max3A_150 = arith.maxsi %get3A_147, %max3A_149 : vector<16xi32>
    %ge3A_151 = arith.constant 0 : i32
    %ge3A_152 = vector.broadcast %ge3A_151 : i32 to vector<16xi32>
    %ge3A_153 = arith.cmpi sge, %get3A_147, %ge3A_152 : vector<16xi32>
    tpu.vector_store_idx %arg5[%max3A_150], %broadcast_in_dim3A_132 masked %ge3A_153 {add = true} : memref<1024xf32, #tpu.memory_space<vmem>>[vector<16xi32>], vector<16xf32>, vector<16xi1>
    %get3A_154 = arith.constant 48 : index
    %get3A_155 = tpu.vector_load %arg4[%get3A_154] {strides = array<i32>} : memref<448xi32, #tpu.memory_space<vmem>>, vector<16xi32>,
    %max3A_156 = arith.constant 0 : i32
    %max3A_157 = vector.broadcast %max3A_156 : i32 to vector<16xi32>
    %max3A_158 = arith.maxsi %get3A_155, %max3A_157 : vector<16xi32>
    %ge3A_159 = arith.constant 0 : i32
    %ge3A_160 = vector.broadcast %ge3A_159 : i32 to vector<16xi32>
    %ge3A_161 = arith.cmpi sge, %get3A_155, %ge3A_160 : vector<16xi32>
    tpu.vector_store_idx %arg5[%max3A_158], %broadcast_in_dim3A_132 masked %ge3A_161 {add = true} : memref<1024xf32, #tpu.memory_space<vmem>>[vector<16xi32>], vector<16xf32>, vector<16xi1>
    %get3A_162 = arith.constant 64 : index
    %get3A_163 = tpu.vector_load %arg4[%get3A_162] {strides = array<i32>} : memref<448xi32, #tpu.memory_space<vmem>>, vector<16xi32>,
    %max3A_164 = arith.constant 0 : i32
    %max3A_165 = vector.broadcast %max3A_164 : i32 to vector<16xi32>
    %max3A_166 = arith.maxsi %get3A_163, %max3A_165 : vector<16xi32>
    %ge3A_167 = arith.constant 0 : i32
    %ge3A_168 = vector.broadcast %ge3A_167 : i32 to vector<16xi32>
    %ge3A_169 = arith.cmpi sge, %get3A_163, %ge3A_168 : vector<16xi32>
    tpu.vector_store_idx %arg5[%max3A_166], %broadcast_in_dim3A_132 masked %ge3A_169 {add = true} : memref<1024xf32, #tpu.memory_space<vmem>>[vector<16xi32>], vector<16xf32>, vector<16xi1>
    %get3A_170 = arith.constant 80 : index
    %get3A_171 = tpu.vector_load %arg4[%get3A_170] {strides = array<i32>} : memref<448xi32, #tpu.memory_space<vmem>>, vector<16xi32>,
    %max3A_172 = arith.constant 0 : i32
    %max3A_173 = vector.broadcast %max3A_172 : i32 to vector<16xi32>
    %max3A_174 = arith.maxsi %get3A_171, %max3A_173 : vector<16xi32>
    %ge3A_175 = arith.constant 0 : i32
    %ge3A_176 = vector.broadcast %ge3A_175 : i32 to vector<16xi32>
    %ge3A_177 = arith.cmpi sge, %get3A_171, %ge3A_176 : vector<16xi32>
    tpu.vector_store_idx %arg5[%max3A_174], %broadcast_in_dim3A_132 masked %ge3A_177 {add = true} : memref<1024xf32, #tpu.memory_space<vmem>>[vector<16xi32>], vector<16xf32>, vector<16xi1>
    %get3A_178 = arith.constant 96 : index
    %get3A_179 = tpu.vector_load %arg4[%get3A_178] {strides = array<i32>} : memref<448xi32, #tpu.memory_space<vmem>>, vector<16xi32>,
    %max3A_180 = arith.constant 0 : i32
    %max3A_181 = vector.broadcast %max3A_180 : i32 to vector<16xi32>
    %max3A_182 = arith.maxsi %get3A_179, %max3A_181 : vector<16xi32>
    %ge3A_183 = arith.constant 0 : i32
    %ge3A_184 = vector.broadcast %ge3A_183 : i32 to vector<16xi32>
    %ge3A_185 = arith.cmpi sge, %get3A_179, %ge3A_184 : vector<16xi32>
    tpu.vector_store_idx %arg5[%max3A_182], %broadcast_in_dim3A_132 masked %ge3A_185 {add = true} : memref<1024xf32, #tpu.memory_space<vmem>>[vector<16xi32>], vector<16xf32>, vector<16xi1>
    %get3A_186 = arith.constant 112 : index
    %get3A_187 = tpu.vector_load %arg4[%get3A_186] {strides = array<i32>} : memref<448xi32, #tpu.memory_space<vmem>>, vector<16xi32>,
    %max3A_188 = arith.constant 0 : i32
    %max3A_189 = vector.broadcast %max3A_188 : i32 to vector<16xi32>
    %max3A_190 = arith.maxsi %get3A_187, %max3A_189 : vector<16xi32>
    %ge3A_191 = arith.constant 0 : i32
    %ge3A_192 = vector.broadcast %ge3A_191 : i32 to vector<16xi32>
    %ge3A_193 = arith.cmpi sge, %get3A_187, %ge3A_192 : vector<16xi32>
    tpu.vector_store_idx %arg5[%max3A_190], %broadcast_in_dim3A_132 masked %ge3A_193 {add = true} : memref<1024xf32, #tpu.memory_space<vmem>>[vector<16xi32>], vector<16xf32>, vector<16xi1>
    %get3A_194 = arith.constant 128 : index
    %get3A_195 = tpu.vector_load %arg4[%get3A_194] {strides = array<i32>} : memref<448xi32, #tpu.memory_space<vmem>>, vector<16xi32>,
    %max3A_196 = arith.constant 0 : i32
    %max3A_197 = vector.broadcast %max3A_196 : i32 to vector<16xi32>
    %max3A_198 = arith.maxsi %get3A_195, %max3A_197 : vector<16xi32>
    %ge3A_199 = arith.constant 0 : i32
    %ge3A_200 = vector.broadcast %ge3A_199 : i32 to vector<16xi32>
    %ge3A_201 = arith.cmpi sge, %get3A_195, %ge3A_200 : vector<16xi32>
    tpu.vector_store_idx %arg5[%max3A_198], %broadcast_in_dim3A_132 masked %ge3A_201 {add = true} : memref<1024xf32, #tpu.memory_space<vmem>>[vector<16xi32>], vector<16xf32>, vector<16xi1>
    %get3A_202 = arith.constant 144 : index
    %get3A_203 = tpu.vector_load %arg4[%get3A_202] {strides = array<i32>} : memref<448xi32, #tpu.memory_space<vmem>>, vector<16xi32>,
    %max3A_204 = arith.constant 0 : i32
    %max3A_205 = vector.broadcast %max3A_204 : i32 to vector<16xi32>
    %max3A_206 = arith.maxsi %get3A_203, %max3A_205 : vector<16xi32>
    %ge3A_207 = arith.constant 0 : i32
    %ge3A_208 = vector.broadcast %ge3A_207 : i32 to vector<16xi32>
    %ge3A_209 = arith.cmpi sge, %get3A_203, %ge3A_208 : vector<16xi32>
    tpu.vector_store_idx %arg5[%max3A_206], %broadcast_in_dim3A_132 masked %ge3A_209 {add = true} : memref<1024xf32, #tpu.memory_space<vmem>>[vector<16xi32>], vector<16xf32>, vector<16xi1>
    %get3A_210 = arith.constant 160 : index
    %get3A_211 = tpu.vector_load %arg4[%get3A_210] {strides = array<i32>} : memref<448xi32, #tpu.memory_space<vmem>>, vector<16xi32>,
    %max3A_212 = arith.constant 0 : i32
    %max3A_213 = vector.broadcast %max3A_212 : i32 to vector<16xi32>
    %max3A_214 = arith.maxsi %get3A_211, %max3A_213 : vector<16xi32>
    %ge3A_215 = arith.constant 0 : i32
    %ge3A_216 = vector.broadcast %ge3A_215 : i32 to vector<16xi32>
    %ge3A_217 = arith.cmpi sge, %get3A_211, %ge3A_216 : vector<16xi32>
    tpu.vector_store_idx %arg5[%max3A_214], %broadcast_in_dim3A_132 masked %ge3A_217 {add = true} : memref<1024xf32, #tpu.memory_space<vmem>>[vector<16xi32>], vector<16xf32>, vector<16xi1>
    %get3A_218 = arith.constant 176 : index
    %get3A_219 = tpu.vector_load %arg4[%get3A_218] {strides = array<i32>} : memref<448xi32, #tpu.memory_space<vmem>>, vector<16xi32>,
    %max3A_220 = arith.constant 0 : i32
    %max3A_221 = vector.broadcast %max3A_220 : i32 to vector<16xi32>
    %max3A_222 = arith.maxsi %get3A_219, %max3A_221 : vector<16xi32>
    %ge3A_223 = arith.constant 0 : i32
    %ge3A_224 = vector.broadcast %ge3A_223 : i32 to vector<16xi32>
    %ge3A_225 = arith.cmpi sge, %get3A_219, %ge3A_224 : vector<16xi32>
    tpu.vector_store_idx %arg5[%max3A_222], %broadcast_in_dim3A_132 masked %ge3A_225 {add = true} : memref<1024xf32, #tpu.memory_space<vmem>>[vector<16xi32>], vector<16xf32>, vector<16xi1>
    %get3A_226 = arith.constant 192 : index
    %get3A_227 = tpu.vector_load %arg4[%get3A_226] {strides = array<i32>} : memref<448xi32, #tpu.memory_space<vmem>>, vector<16xi32>,
    %max3A_228 = arith.constant 0 : i32
    %max3A_229 = vector.broadcast %max3A_228 : i32 to vector<16xi32>
    %max3A_230 = arith.maxsi %get3A_227, %max3A_229 : vector<16xi32>
    %ge3A_231 = arith.constant 0 : i32
    %ge3A_232 = vector.broadcast %ge3A_231 : i32 to vector<16xi32>
    %ge3A_233 = arith.cmpi sge, %get3A_227, %ge3A_232 : vector<16xi32>
    tpu.vector_store_idx %arg5[%max3A_230], %broadcast_in_dim3A_132 masked %ge3A_233 {add = true} : memref<1024xf32, #tpu.memory_space<vmem>>[vector<16xi32>], vector<16xf32>, vector<16xi1>
    %get3A_234 = arith.constant 208 : index
    %get3A_235 = tpu.vector_load %arg4[%get3A_234] {strides = array<i32>} : memref<448xi32, #tpu.memory_space<vmem>>, vector<16xi32>,
    %max3A_236 = arith.constant 0 : i32
    %max3A_237 = vector.broadcast %max3A_236 : i32 to vector<16xi32>
    %max3A_238 = arith.maxsi %get3A_235, %max3A_237 : vector<16xi32>
    %ge3A_239 = arith.constant 0 : i32
    %ge3A_240 = vector.broadcast %ge3A_239 : i32 to vector<16xi32>
    %ge3A_241 = arith.cmpi sge, %get3A_235, %ge3A_240 : vector<16xi32>
    tpu.vector_store_idx %arg5[%max3A_238], %broadcast_in_dim3A_132 masked %ge3A_241 {add = true} : memref<1024xf32, #tpu.memory_space<vmem>>[vector<16xi32>], vector<16xf32>, vector<16xi1>
    %get3A_242 = arith.constant 224 : index
    %get3A_243 = tpu.vector_load %arg4[%get3A_242] {strides = array<i32>} : memref<448xi32, #tpu.memory_space<vmem>>, vector<16xi32>,
    %max3A_244 = arith.constant 0 : i32
    %max3A_245 = vector.broadcast %max3A_244 : i32 to vector<16xi32>
    %max3A_246 = arith.maxsi %get3A_243, %max3A_245 : vector<16xi32>
    %ge3A_247 = arith.constant 0 : i32
    %ge3A_248 = vector.broadcast %ge3A_247 : i32 to vector<16xi32>
    %ge3A_249 = arith.cmpi sge, %get3A_243, %ge3A_248 : vector<16xi32>
    tpu.vector_store_idx %arg5[%max3A_246], %broadcast_in_dim3A_132 masked %ge3A_249 {add = true} : memref<1024xf32, #tpu.memory_space<vmem>>[vector<16xi32>], vector<16xf32>, vector<16xi1>
    %get3A_250 = arith.constant 240 : index
    %get3A_251 = tpu.vector_load %arg4[%get3A_250] {strides = array<i32>} : memref<448xi32, #tpu.memory_space<vmem>>, vector<16xi32>,
    %max3A_252 = arith.constant 0 : i32
    %max3A_253 = vector.broadcast %max3A_252 : i32 to vector<16xi32>
    %max3A_254 = arith.maxsi %get3A_251, %max3A_253 : vector<16xi32>
    %ge3A_255 = arith.constant 0 : i32
    %ge3A_256 = vector.broadcast %ge3A_255 : i32 to vector<16xi32>
    %ge3A_257 = arith.cmpi sge, %get3A_251, %ge3A_256 : vector<16xi32>
    tpu.vector_store_idx %arg5[%max3A_254], %broadcast_in_dim3A_132 masked %ge3A_257 {add = true} : memref<1024xf32, #tpu.memory_space<vmem>>[vector<16xi32>], vector<16xf32>, vector<16xi1>
    %get3A_258 = arith.constant 256 : index
    %get3A_259 = tpu.vector_load %arg4[%get3A_258] {strides = array<i32>} : memref<448xi32, #tpu.memory_space<vmem>>, vector<16xi32>,
    %max3A_260 = arith.constant 0 : i32
    %max3A_261 = vector.broadcast %max3A_260 : i32 to vector<16xi32>
    %max3A_262 = arith.maxsi %get3A_259, %max3A_261 : vector<16xi32>
    %ge3A_263 = arith.constant 0 : i32
    %ge3A_264 = vector.broadcast %ge3A_263 : i32 to vector<16xi32>
    %ge3A_265 = arith.cmpi sge, %get3A_259, %ge3A_264 : vector<16xi32>
    tpu.vector_store_idx %arg5[%max3A_262], %broadcast_in_dim3A_132 masked %ge3A_265 {add = true} : memref<1024xf32, #tpu.memory_space<vmem>>[vector<16xi32>], vector<16xf32>, vector<16xi1>
    %get3A_266 = arith.constant 272 : index
    %get3A_267 = tpu.vector_load %arg4[%get3A_266] {strides = array<i32>} : memref<448xi32, #tpu.memory_space<vmem>>, vector<16xi32>,
    %max3A_268 = arith.constant 0 : i32
    %max3A_269 = vector.broadcast %max3A_268 : i32 to vector<16xi32>
    %max3A_270 = arith.maxsi %get3A_267, %max3A_269 : vector<16xi32>
    %ge3A_271 = arith.constant 0 : i32
    %ge3A_272 = vector.broadcast %ge3A_271 : i32 to vector<16xi32>
    %ge3A_273 = arith.cmpi sge, %get3A_267, %ge3A_272 : vector<16xi32>
    tpu.vector_store_idx %arg5[%max3A_270], %broadcast_in_dim3A_132 masked %ge3A_273 {add = true} : memref<1024xf32, #tpu.memory_space<vmem>>[vector<16xi32>], vector<16xf32>, vector<16xi1>
    %get3A_274 = arith.constant 288 : index
    %get3A_275 = tpu.vector_load %arg4[%get3A_274] {strides = array<i32>} : memref<448xi32, #tpu.memory_space<vmem>>, vector<16xi32>,
    %max3A_276 = arith.constant 0 : i32
    %max3A_277 = vector.broadcast %max3A_276 : i32 to vector<16xi32>
    %max3A_278 = arith.maxsi %get3A_275, %max3A_277 : vector<16xi32>
    %ge3A_279 = arith.constant 0 : i32
    %ge3A_280 = vector.broadcast %ge3A_279 : i32 to vector<16xi32>
    %ge3A_281 = arith.cmpi sge, %get3A_275, %ge3A_280 : vector<16xi32>
    tpu.vector_store_idx %arg5[%max3A_278], %broadcast_in_dim3A_132 masked %ge3A_281 {add = true} : memref<1024xf32, #tpu.memory_space<vmem>>[vector<16xi32>], vector<16xf32>, vector<16xi1>
    %get3A_282 = arith.constant 304 : index
    %get3A_283 = tpu.vector_load %arg4[%get3A_282] {strides = array<i32>} : memref<448xi32, #tpu.memory_space<vmem>>, vector<16xi32>,
    %max3A_284 = arith.constant 0 : i32
    %max3A_285 = vector.broadcast %max3A_284 : i32 to vector<16xi32>
    %max3A_286 = arith.maxsi %get3A_283, %max3A_285 : vector<16xi32>
    %ge3A_287 = arith.constant 0 : i32
    %ge3A_288 = vector.broadcast %ge3A_287 : i32 to vector<16xi32>
    %ge3A_289 = arith.cmpi sge, %get3A_283, %ge3A_288 : vector<16xi32>
    tpu.vector_store_idx %arg5[%max3A_286], %broadcast_in_dim3A_132 masked %ge3A_289 {add = true} : memref<1024xf32, #tpu.memory_space<vmem>>[vector<16xi32>], vector<16xf32>, vector<16xi1>
    %get3A_290 = arith.constant 320 : index
    %get3A_291 = tpu.vector_load %arg4[%get3A_290] {strides = array<i32>} : memref<448xi32, #tpu.memory_space<vmem>>, vector<16xi32>,
    %max3A_292 = arith.constant 0 : i32
    %max3A_293 = vector.broadcast %max3A_292 : i32 to vector<16xi32>
    %max3A_294 = arith.maxsi %get3A_291, %max3A_293 : vector<16xi32>
    %ge3A_295 = arith.constant 0 : i32
    %ge3A_296 = vector.broadcast %ge3A_295 : i32 to vector<16xi32>
    %ge3A_297 = arith.cmpi sge, %get3A_291, %ge3A_296 : vector<16xi32>
    tpu.vector_store_idx %arg5[%max3A_294], %broadcast_in_dim3A_132 masked %ge3A_297 {add = true} : memref<1024xf32, #tpu.memory_space<vmem>>[vector<16xi32>], vector<16xf32>, vector<16xi1>
    %get3A_298 = arith.constant 336 : index
    %get3A_299 = tpu.vector_load %arg4[%get3A_298] {strides = array<i32>} : memref<448xi32, #tpu.memory_space<vmem>>, vector<16xi32>,
    %max3A_300 = arith.constant 0 : i32
    %max3A_301 = vector.broadcast %max3A_300 : i32 to vector<16xi32>
    %max3A_302 = arith.maxsi %get3A_299, %max3A_301 : vector<16xi32>
    %ge3A_303 = arith.constant 0 : i32
    %ge3A_304 = vector.broadcast %ge3A_303 : i32 to vector<16xi32>
    %ge3A_305 = arith.cmpi sge, %get3A_299, %ge3A_304 : vector<16xi32>
    tpu.vector_store_idx %arg5[%max3A_302], %broadcast_in_dim3A_132 masked %ge3A_305 {add = true} : memref<1024xf32, #tpu.memory_space<vmem>>[vector<16xi32>], vector<16xf32>, vector<16xi1>
    %get3A_306 = arith.constant 352 : index
    %get3A_307 = tpu.vector_load %arg4[%get3A_306] {strides = array<i32>} : memref<448xi32, #tpu.memory_space<vmem>>, vector<16xi32>,
    %max3A_308 = arith.constant 0 : i32
    %max3A_309 = vector.broadcast %max3A_308 : i32 to vector<16xi32>
    %max3A_310 = arith.maxsi %get3A_307, %max3A_309 : vector<16xi32>
    %ge3A_311 = arith.constant 0 : i32
    %ge3A_312 = vector.broadcast %ge3A_311 : i32 to vector<16xi32>
    %ge3A_313 = arith.cmpi sge, %get3A_307, %ge3A_312 : vector<16xi32>
    tpu.vector_store_idx %arg5[%max3A_310], %broadcast_in_dim3A_132 masked %ge3A_313 {add = true} : memref<1024xf32, #tpu.memory_space<vmem>>[vector<16xi32>], vector<16xf32>, vector<16xi1>
    %get3A_314 = arith.constant 368 : index
    %get3A_315 = tpu.vector_load %arg4[%get3A_314] {strides = array<i32>} : memref<448xi32, #tpu.memory_space<vmem>>, vector<16xi32>,
    %max3A_316 = arith.constant 0 : i32
    %max3A_317 = vector.broadcast %max3A_316 : i32 to vector<16xi32>
    %max3A_318 = arith.maxsi %get3A_315, %max3A_317 : vector<16xi32>
    %ge3A_319 = arith.constant 0 : i32
    %ge3A_320 = vector.broadcast %ge3A_319 : i32 to vector<16xi32>
    %ge3A_321 = arith.cmpi sge, %get3A_315, %ge3A_320 : vector<16xi32>
    tpu.vector_store_idx %arg5[%max3A_318], %broadcast_in_dim3A_132 masked %ge3A_321 {add = true} : memref<1024xf32, #tpu.memory_space<vmem>>[vector<16xi32>], vector<16xf32>, vector<16xi1>
    %get3A_322 = arith.constant 384 : index
    %get3A_323 = tpu.vector_load %arg4[%get3A_322] {strides = array<i32>} : memref<448xi32, #tpu.memory_space<vmem>>, vector<16xi32>,
    %max3A_324 = arith.constant 0 : i32
    %max3A_325 = vector.broadcast %max3A_324 : i32 to vector<16xi32>
    %max3A_326 = arith.maxsi %get3A_323, %max3A_325 : vector<16xi32>
    %ge3A_327 = arith.constant 0 : i32
    %ge3A_328 = vector.broadcast %ge3A_327 : i32 to vector<16xi32>
    %ge3A_329 = arith.cmpi sge, %get3A_323, %ge3A_328 : vector<16xi32>
    tpu.vector_store_idx %arg5[%max3A_326], %broadcast_in_dim3A_132 masked %ge3A_329 {add = true} : memref<1024xf32, #tpu.memory_space<vmem>>[vector<16xi32>], vector<16xf32>, vector<16xi1>
    %get3A_330 = arith.constant 400 : index
    %get3A_331 = tpu.vector_load %arg4[%get3A_330] {strides = array<i32>} : memref<448xi32, #tpu.memory_space<vmem>>, vector<16xi32>,
    %max3A_332 = arith.constant 0 : i32
    %max3A_333 = vector.broadcast %max3A_332 : i32 to vector<16xi32>
    %max3A_334 = arith.maxsi %get3A_331, %max3A_333 : vector<16xi32>
    %ge3A_335 = arith.constant 0 : i32
    %ge3A_336 = vector.broadcast %ge3A_335 : i32 to vector<16xi32>
    %ge3A_337 = arith.cmpi sge, %get3A_331, %ge3A_336 : vector<16xi32>
    tpu.vector_store_idx %arg5[%max3A_334], %broadcast_in_dim3A_132 masked %ge3A_337 {add = true} : memref<1024xf32, #tpu.memory_space<vmem>>[vector<16xi32>], vector<16xf32>, vector<16xi1>
    %get3A_338 = arith.constant 416 : index
    %get3A_339 = tpu.vector_load %arg4[%get3A_338] {strides = array<i32>} : memref<448xi32, #tpu.memory_space<vmem>>, vector<16xi32>,
    %max3A_340 = arith.constant 0 : i32
    %max3A_341 = vector.broadcast %max3A_340 : i32 to vector<16xi32>
    %max3A_342 = arith.maxsi %get3A_339, %max3A_341 : vector<16xi32>
    %ge3A_343 = arith.constant 0 : i32
    %ge3A_344 = vector.broadcast %ge3A_343 : i32 to vector<16xi32>
    %ge3A_345 = arith.cmpi sge, %get3A_339, %ge3A_344 : vector<16xi32>
    tpu.vector_store_idx %arg5[%max3A_342], %broadcast_in_dim3A_132 masked %ge3A_345 {add = true} : memref<1024xf32, #tpu.memory_space<vmem>>[vector<16xi32>], vector<16xf32>, vector<16xi1>
    %get3A_346 = arith.constant 432 : index
    %get3A_347 = tpu.vector_load %arg4[%get3A_346] {strides = array<i32>} : memref<448xi32, #tpu.memory_space<vmem>>, vector<16xi32>,
    %max3A_348 = arith.constant 0 : i32
    %max3A_349 = vector.broadcast %max3A_348 : i32 to vector<16xi32>
    %max3A_350 = arith.maxsi %get3A_347, %max3A_349 : vector<16xi32>
    %ge3A_351 = arith.constant 0 : i32
    %ge3A_352 = vector.broadcast %ge3A_351 : i32 to vector<16xi32>
    %ge3A_353 = arith.cmpi sge, %get3A_347, %ge3A_352 : vector<16xi32>
    tpu.vector_store_idx %arg5[%max3A_350], %broadcast_in_dim3A_132 masked %ge3A_353 {add = true} : memref<1024xf32, #tpu.memory_space<vmem>>[vector<16xi32>], vector<16xf32>, vector<16xi1>
    %mul3A_354 = arith.constant 16 : i32
    %mul3A_355 = arith.muli %arg0, %mul3A_354 : i32
    %add3A_356 = arith.addi %mul3A_355, %arg1 : i32
    %mul3A_357 = arith.constant 1024 : i32
    %mul3A_358 = arith.muli %add3A_356, %mul3A_357 : i32
    "tpu.region"() ({
      %run_scoped3A = tpu.sem_alloc : memref<!tpu.dma_semaphore, #tpu.memory_space<semaphore_mem>>
      %dma_start3A = tpu.memref_slice %arg3[%mul3A_358] : memref<32768xf32, #tpu.memory_space<hbm>> -> memref<1024xf32, #tpu.memory_space<hbm>>
      %dma_start3A_359 = tpu.memref_slice %arg3[%mul3A_358] : memref<32768xf32, #tpu.memory_space<hbm>> -> memref<1024xf32, #tpu.memory_space<hbm>>
      tpu.enqueue_dma source(%arg5 : memref<1024xf32, #tpu.memory_space<vmem>>) target(%dma_start3A_359 : memref<1024xf32, #tpu.memory_space<hbm>>) target_semaphore(%run_scoped3A : memref<!tpu.dma_semaphore, #tpu.memory_space<semaphore_mem>>)
      %dma_wait3A = tpu.memref_slice %arg3[%mul3A_358] : memref<32768xf32, #tpu.memory_space<hbm>> -> memref<1024xf32, #tpu.memory_space<hbm>>
      %dma_wait3A_360 = tpu.memref_slice %arg3[%mul3A_358] : memref<32768xf32, #tpu.memory_space<hbm>> -> memref<1024xf32, #tpu.memory_space<hbm>>
      tpu.wait_dma2 semaphore(%run_scoped3A : memref<!tpu.dma_semaphore, #tpu.memory_space<semaphore_mem>>) src(%arg5 : memref<1024xf32, #tpu.memory_space<vmem>>) dst(%dma_wait3A_360 : memref<1024xf32, #tpu.memory_space<hbm>>)
      tpu.yield
    }) : () -> ()
    return
  }
}

module attributes {stable_mosaic.version = 14 : i64} {
  func.func @_attn_body(%arg0: i32, %arg1: memref<1x1024x512xf32, #tpu.memory_space<vmem>>, %arg2: memref<1x1024x512xf32, #tpu.memory_space<vmem>>, %arg3: memref<1x1024x512xf32, #tpu.memory_space<vmem>>, %arg4: memref<1x16x1024xf32, #tpu.memory_space<vmem>>, %arg5: memref<1x1024x512xf32, #tpu.memory_space<vmem>>) attributes {dimension_semantics = [#tpu.dimension_semantics<arbitrary>], iteration_bounds = array<i64: 2>, scalar_prefetch = 0 : i64, scratch_operands = 0 : i64, tpu.core_type = #tpu.core_type<tc>, window_params = [{transform_indices = @transform_0, window_bounds = array<i64: 1, 1024, 512>}, {transform_indices = @transform_1, window_bounds = array<i64: 1, 1024, 512>}, {transform_indices = @transform_2, window_bounds = array<i64: 1, 1024, 512>}, {transform_indices = @transform_3, window_bounds = array<i64: 1, 16, 1024>}, {transform_indices = @transform_4, window_bounds = array<i64: 1, 1024, 512>}]} {
    %get3A = arith.constant 0 : index
    %get3A_0 = arith.constant 0 : index
    %get3A_1 = arith.constant 0 : index
    %get3A_2 = vector.load %arg2[%get3A, %get3A_0, %get3A_1] : memref<1x1024x512xf32, #tpu.memory_space<vmem>>, vector<1x1024x512xf32>
    %get3A_3 = vector.shape_cast %get3A_2 : vector<1x1024x512xf32> to vector<1024x512xf32>
    %get3A_4 = arith.constant 0 : index
    %get3A_5 = arith.constant 0 : index
    %get3A_6 = arith.constant 0 : index
    %get3A_7 = vector.load %arg4[%get3A_4, %get3A_5, %get3A_6] : memref<1x16x1024xf32, #tpu.memory_space<vmem>>, vector<1x16x1024xf32>
    %get3A_8 = vector.shape_cast %get3A_7 : vector<1x16x1024xf32> to vector<16x1024xf32>
    %reduce_sum3A = arith.constant dense<0.000000e+00> : vector<1024xf32>
    %reduce_sum3A_9 = vector.multi_reduction <add>, %get3A_8, %reduce_sum3A [0] : vector<16x1024xf32> to vector<1024xf32>
    %broadcast_in_dim3A = vector.shape_cast %reduce_sum3A_9 : vector<1024xf32> to vector<1x1024xf32>
    %mul3A = arith.constant 1.40904609E-4 : f32
    %mul3A_10 = vector.broadcast %mul3A : f32 to vector<1x1024xf32>
    %mul3A_11 = arith.mulf %broadcast_in_dim3A, %mul3A_10 : vector<1x1024xf32>
    %gt3A = arith.constant 0.000000e+00 : f32
    %gt3A_12 = vector.broadcast %gt3A : f32 to vector<1x1024xf32>
    %gt3A_13 = arith.cmpf ogt, %broadcast_in_dim3A, %gt3A_12 : vector<1x1024xf32>
    %get3A_14 = arith.constant 0 : index
    %get3A_15 = arith.constant 0 : index
    %get3A_16 = arith.constant 0 : index
    %get3A_17 = vector.load %arg1[%get3A_14, %get3A_15, %get3A_16] : memref<1x1024x512xf32, #tpu.memory_space<vmem>>, vector<1x128x512xf32>
    %get3A_18 = vector.shape_cast %get3A_17 : vector<1x128x512xf32> to vector<128x512xf32>
    %dot_general3A = arith.constant dense<0.000000e+00> : vector<128x1024xf32>
    %dot_general3A_19 = tpu.matmul %get3A_18, %get3A_3, %dot_general3A {dimension_numbers = #tpu.dot_dimension_numbers<[1], [1], [0], [0], [0, 0, 1, 0], [], []>, transpose_lhs_hint = false} : vector<128x512xf32>, vector<1024x512xf32>, vector<128x1024xf32> -> vector<128x1024xf32>
    %jit3A = arith.constant -3.000000e+38 : f32
    %broadcast_in_dim3A_20 = vector.shape_cast %gt3A_13 : vector<1x1024xi1> to vector<1x1024xi1>
    %broadcast_in_dim3A_21 = vector.broadcast %broadcast_in_dim3A_20 : vector<1x1024xi1> to vector<128x1024xi1>
    %broadcast_in_dim3A_22 = vector.broadcast %jit3A : f32 to vector<128x1024xf32>
    %select_n3A = arith.select %broadcast_in_dim3A_21, %dot_general3A_19, %broadcast_in_dim3A_22 : vector<128x1024xi1>, vector<128x1024xf32>
    %slice3A = vector.extract_strided_slice %select_n3A {offsets = [0, 0], sizes = [128, 512], strides = [1, 1]} : vector<128x1024xf32> to vector<128x512xf32>
    %slice3A_23 = vector.extract_strided_slice %select_n3A {offsets = [0, 512], sizes = [128, 512], strides = [1, 1]} : vector<128x1024xf32> to vector<128x512xf32>
    %max3A = arith.maximumf %slice3A, %slice3A_23 : vector<128x512xf32>
    %slice3A_24 = vector.extract_strided_slice %max3A {offsets = [0, 0], sizes = [128, 256], strides = [1, 1]} : vector<128x512xf32> to vector<128x256xf32>
    %slice3A_25 = vector.extract_strided_slice %max3A {offsets = [0, 256], sizes = [128, 256], strides = [1, 1]} : vector<128x512xf32> to vector<128x256xf32>
    %max3A_26 = arith.maximumf %slice3A_24, %slice3A_25 : vector<128x256xf32>
    %slice3A_27 = vector.extract_strided_slice %max3A_26 {offsets = [0, 0], sizes = [128, 128], strides = [1, 1]} : vector<128x256xf32> to vector<128x128xf32>
    %slice3A_28 = vector.extract_strided_slice %max3A_26 {offsets = [0, 128], sizes = [128, 128], strides = [1, 1]} : vector<128x256xf32> to vector<128x128xf32>
    %max3A_29 = arith.maximumf %slice3A_27, %slice3A_28 : vector<128x128xf32>
    %reduce_max3A = arith.constant dense<0xFF800000> : vector<128xf32>
    %reduce_max3A_30 = vector.multi_reduction <maximumf>, %max3A_29, %reduce_max3A [1] : vector<128x128xf32> to vector<128xf32>
    %mul3A_31 = vector.broadcast %mul3A_11 : vector<1x1024xf32> to vector<128x1024xf32>
    %mul3A_32 = arith.mulf %dot_general3A_19, %mul3A_31 : vector<128x1024xf32>
    %slice3A_33 = vector.extract_strided_slice %mul3A_32 {offsets = [0, 0], sizes = [128, 512], strides = [1, 1]} : vector<128x1024xf32> to vector<128x512xf32>
    %slice3A_34 = vector.extract_strided_slice %mul3A_32 {offsets = [0, 512], sizes = [128, 512], strides = [1, 1]} : vector<128x1024xf32> to vector<128x512xf32>
    %add3A = arith.addf %slice3A_33, %slice3A_34 : vector<128x512xf32>
    %slice3A_35 = vector.extract_strided_slice %add3A {offsets = [0, 0], sizes = [128, 256], strides = [1, 1]} : vector<128x512xf32> to vector<128x256xf32>
    %slice3A_36 = vector.extract_strided_slice %add3A {offsets = [0, 256], sizes = [128, 256], strides = [1, 1]} : vector<128x512xf32> to vector<128x256xf32>
    %add3A_37 = arith.addf %slice3A_35, %slice3A_36 : vector<128x256xf32>
    %slice3A_38 = vector.extract_strided_slice %add3A_37 {offsets = [0, 0], sizes = [128, 128], strides = [1, 1]} : vector<128x256xf32> to vector<128x128xf32>
    %slice3A_39 = vector.extract_strided_slice %add3A_37 {offsets = [0, 128], sizes = [128, 128], strides = [1, 1]} : vector<128x256xf32> to vector<128x128xf32>
    %add3A_40 = arith.addf %slice3A_38, %slice3A_39 : vector<128x128xf32>
    %reduce_sum3A_41 = arith.constant dense<0.000000e+00> : vector<128xf32>
    %reduce_sum3A_42 = vector.multi_reduction <add>, %add3A_40, %reduce_sum3A_41 [1] : vector<128x128xf32> to vector<128xf32>
    %sub3A = arith.subf %reduce_max3A_30, %reduce_sum3A_42 : vector<128xf32>
    %get3A_43 = arith.constant 0 : index
    %get3A_44 = arith.constant 128 : index
    %get3A_45 = arith.constant 0 : index
    %get3A_46 = vector.load %arg1[%get3A_43, %get3A_44, %get3A_45] : memref<1x1024x512xf32, #tpu.memory_space<vmem>>, vector<1x128x512xf32>
    %get3A_47 = vector.shape_cast %get3A_46 : vector<1x128x512xf32> to vector<128x512xf32>
    %dot_general3A_48 = arith.constant dense<0.000000e+00> : vector<128x1024xf32>
    %dot_general3A_49 = tpu.matmul %get3A_47, %get3A_3, %dot_general3A_48 {dimension_numbers = #tpu.dot_dimension_numbers<[1], [1], [0], [0], [0, 0, 1, 0], [], []>, transpose_lhs_hint = false} : vector<128x512xf32>, vector<1024x512xf32>, vector<128x1024xf32> -> vector<128x1024xf32>
    %jit3A_50 = arith.constant -3.000000e+38 : f32
    %broadcast_in_dim3A_51 = vector.shape_cast %gt3A_13 : vector<1x1024xi1> to vector<1x1024xi1>
    %broadcast_in_dim3A_52 = vector.broadcast %broadcast_in_dim3A_51 : vector<1x1024xi1> to vector<128x1024xi1>
    %broadcast_in_dim3A_53 = vector.broadcast %jit3A_50 : f32 to vector<128x1024xf32>
    %select_n3A_54 = arith.select %broadcast_in_dim3A_52, %dot_general3A_49, %broadcast_in_dim3A_53 : vector<128x1024xi1>, vector<128x1024xf32>
    %slice3A_55 = vector.extract_strided_slice %select_n3A_54 {offsets = [0, 0], sizes = [128, 512], strides = [1, 1]} : vector<128x1024xf32> to vector<128x512xf32>
    %slice3A_56 = vector.extract_strided_slice %select_n3A_54 {offsets = [0, 512], sizes = [128, 512], strides = [1, 1]} : vector<128x1024xf32> to vector<128x512xf32>
    %max3A_57 = arith.maximumf %slice3A_55, %slice3A_56 : vector<128x512xf32>
    %slice3A_58 = vector.extract_strided_slice %max3A_57 {offsets = [0, 0], sizes = [128, 256], strides = [1, 1]} : vector<128x512xf32> to vector<128x256xf32>
    %slice3A_59 = vector.extract_strided_slice %max3A_57 {offsets = [0, 256], sizes = [128, 256], strides = [1, 1]} : vector<128x512xf32> to vector<128x256xf32>
    %max3A_60 = arith.maximumf %slice3A_58, %slice3A_59 : vector<128x256xf32>
    %slice3A_61 = vector.extract_strided_slice %max3A_60 {offsets = [0, 0], sizes = [128, 128], strides = [1, 1]} : vector<128x256xf32> to vector<128x128xf32>
    %slice3A_62 = vector.extract_strided_slice %max3A_60 {offsets = [0, 128], sizes = [128, 128], strides = [1, 1]} : vector<128x256xf32> to vector<128x128xf32>
    %max3A_63 = arith.maximumf %slice3A_61, %slice3A_62 : vector<128x128xf32>
    %reduce_max3A_64 = arith.constant dense<0xFF800000> : vector<128xf32>
    %reduce_max3A_65 = vector.multi_reduction <maximumf>, %max3A_63, %reduce_max3A_64 [1] : vector<128x128xf32> to vector<128xf32>
    %mul3A_66 = vector.broadcast %mul3A_11 : vector<1x1024xf32> to vector<128x1024xf32>
    %mul3A_67 = arith.mulf %dot_general3A_49, %mul3A_66 : vector<128x1024xf32>
    %slice3A_68 = vector.extract_strided_slice %mul3A_67 {offsets = [0, 0], sizes = [128, 512], strides = [1, 1]} : vector<128x1024xf32> to vector<128x512xf32>
    %slice3A_69 = vector.extract_strided_slice %mul3A_67 {offsets = [0, 512], sizes = [128, 512], strides = [1, 1]} : vector<128x1024xf32> to vector<128x512xf32>
    %add3A_70 = arith.addf %slice3A_68, %slice3A_69 : vector<128x512xf32>
    %slice3A_71 = vector.extract_strided_slice %add3A_70 {offsets = [0, 0], sizes = [128, 256], strides = [1, 1]} : vector<128x512xf32> to vector<128x256xf32>
    %slice3A_72 = vector.extract_strided_slice %add3A_70 {offsets = [0, 256], sizes = [128, 256], strides = [1, 1]} : vector<128x512xf32> to vector<128x256xf32>
    %add3A_73 = arith.addf %slice3A_71, %slice3A_72 : vector<128x256xf32>
    %slice3A_74 = vector.extract_strided_slice %add3A_73 {offsets = [0, 0], sizes = [128, 128], strides = [1, 1]} : vector<128x256xf32> to vector<128x128xf32>
    %slice3A_75 = vector.extract_strided_slice %add3A_73 {offsets = [0, 128], sizes = [128, 128], strides = [1, 1]} : vector<128x256xf32> to vector<128x128xf32>
    %add3A_76 = arith.addf %slice3A_74, %slice3A_75 : vector<128x128xf32>
    %reduce_sum3A_77 = arith.constant dense<0.000000e+00> : vector<128xf32>
    %reduce_sum3A_78 = vector.multi_reduction <add>, %add3A_76, %reduce_sum3A_77 [1] : vector<128x128xf32> to vector<128xf32>
    %sub3A_79 = arith.subf %reduce_max3A_65, %reduce_sum3A_78 : vector<128xf32>
    %get3A_80 = arith.constant 0 : index
    %get3A_81 = arith.constant 256 : index
    %get3A_82 = arith.constant 0 : index
    %get3A_83 = vector.load %arg1[%get3A_80, %get3A_81, %get3A_82] : memref<1x1024x512xf32, #tpu.memory_space<vmem>>, vector<1x128x512xf32>
    %get3A_84 = vector.shape_cast %get3A_83 : vector<1x128x512xf32> to vector<128x512xf32>
    %dot_general3A_85 = arith.constant dense<0.000000e+00> : vector<128x1024xf32>
    %dot_general3A_86 = tpu.matmul %get3A_84, %get3A_3, %dot_general3A_85 {dimension_numbers = #tpu.dot_dimension_numbers<[1], [1], [0], [0], [0, 0, 1, 0], [], []>, transpose_lhs_hint = false} : vector<128x512xf32>, vector<1024x512xf32>, vector<128x1024xf32> -> vector<128x1024xf32>
    %jit3A_87 = arith.constant -3.000000e+38 : f32
    %broadcast_in_dim3A_88 = vector.shape_cast %gt3A_13 : vector<1x1024xi1> to vector<1x1024xi1>
    %broadcast_in_dim3A_89 = vector.broadcast %broadcast_in_dim3A_88 : vector<1x1024xi1> to vector<128x1024xi1>
    %broadcast_in_dim3A_90 = vector.broadcast %jit3A_87 : f32 to vector<128x1024xf32>
    %select_n3A_91 = arith.select %broadcast_in_dim3A_89, %dot_general3A_86, %broadcast_in_dim3A_90 : vector<128x1024xi1>, vector<128x1024xf32>
    %slice3A_92 = vector.extract_strided_slice %select_n3A_91 {offsets = [0, 0], sizes = [128, 512], strides = [1, 1]} : vector<128x1024xf32> to vector<128x512xf32>
    %slice3A_93 = vector.extract_strided_slice %select_n3A_91 {offsets = [0, 512], sizes = [128, 512], strides = [1, 1]} : vector<128x1024xf32> to vector<128x512xf32>
    %max3A_94 = arith.maximumf %slice3A_92, %slice3A_93 : vector<128x512xf32>
    %slice3A_95 = vector.extract_strided_slice %max3A_94 {offsets = [0, 0], sizes = [128, 256], strides = [1, 1]} : vector<128x512xf32> to vector<128x256xf32>
    %slice3A_96 = vector.extract_strided_slice %max3A_94 {offsets = [0, 256], sizes = [128, 256], strides = [1, 1]} : vector<128x512xf32> to vector<128x256xf32>
    %max3A_97 = arith.maximumf %slice3A_95, %slice3A_96 : vector<128x256xf32>
    %slice3A_98 = vector.extract_strided_slice %max3A_97 {offsets = [0, 0], sizes = [128, 128], strides = [1, 1]} : vector<128x256xf32> to vector<128x128xf32>
    %slice3A_99 = vector.extract_strided_slice %max3A_97 {offsets = [0, 128], sizes = [128, 128], strides = [1, 1]} : vector<128x256xf32> to vector<128x128xf32>
    %max3A_100 = arith.maximumf %slice3A_98, %slice3A_99 : vector<128x128xf32>
    %reduce_max3A_101 = arith.constant dense<0xFF800000> : vector<128xf32>
    %reduce_max3A_102 = vector.multi_reduction <maximumf>, %max3A_100, %reduce_max3A_101 [1] : vector<128x128xf32> to vector<128xf32>
    %mul3A_103 = vector.broadcast %mul3A_11 : vector<1x1024xf32> to vector<128x1024xf32>
    %mul3A_104 = arith.mulf %dot_general3A_86, %mul3A_103 : vector<128x1024xf32>
    %slice3A_105 = vector.extract_strided_slice %mul3A_104 {offsets = [0, 0], sizes = [128, 512], strides = [1, 1]} : vector<128x1024xf32> to vector<128x512xf32>
    %slice3A_106 = vector.extract_strided_slice %mul3A_104 {offsets = [0, 512], sizes = [128, 512], strides = [1, 1]} : vector<128x1024xf32> to vector<128x512xf32>
    %add3A_107 = arith.addf %slice3A_105, %slice3A_106 : vector<128x512xf32>
    %slice3A_108 = vector.extract_strided_slice %add3A_107 {offsets = [0, 0], sizes = [128, 256], strides = [1, 1]} : vector<128x512xf32> to vector<128x256xf32>
    %slice3A_109 = vector.extract_strided_slice %add3A_107 {offsets = [0, 256], sizes = [128, 256], strides = [1, 1]} : vector<128x512xf32> to vector<128x256xf32>
    %add3A_110 = arith.addf %slice3A_108, %slice3A_109 : vector<128x256xf32>
    %slice3A_111 = vector.extract_strided_slice %add3A_110 {offsets = [0, 0], sizes = [128, 128], strides = [1, 1]} : vector<128x256xf32> to vector<128x128xf32>
    %slice3A_112 = vector.extract_strided_slice %add3A_110 {offsets = [0, 128], sizes = [128, 128], strides = [1, 1]} : vector<128x256xf32> to vector<128x128xf32>
    %add3A_113 = arith.addf %slice3A_111, %slice3A_112 : vector<128x128xf32>
    %reduce_sum3A_114 = arith.constant dense<0.000000e+00> : vector<128xf32>
    %reduce_sum3A_115 = vector.multi_reduction <add>, %add3A_113, %reduce_sum3A_114 [1] : vector<128x128xf32> to vector<128xf32>
    %sub3A_116 = arith.subf %reduce_max3A_102, %reduce_sum3A_115 : vector<128xf32>
    %get3A_117 = arith.constant 0 : index
    %get3A_118 = arith.constant 384 : index
    %get3A_119 = arith.constant 0 : index
    %get3A_120 = vector.load %arg1[%get3A_117, %get3A_118, %get3A_119] : memref<1x1024x512xf32, #tpu.memory_space<vmem>>, vector<1x128x512xf32>
    %get3A_121 = vector.shape_cast %get3A_120 : vector<1x128x512xf32> to vector<128x512xf32>
    %dot_general3A_122 = arith.constant dense<0.000000e+00> : vector<128x1024xf32>
    %dot_general3A_123 = tpu.matmul %get3A_121, %get3A_3, %dot_general3A_122 {dimension_numbers = #tpu.dot_dimension_numbers<[1], [1], [0], [0], [0, 0, 1, 0], [], []>, transpose_lhs_hint = false} : vector<128x512xf32>, vector<1024x512xf32>, vector<128x1024xf32> -> vector<128x1024xf32>
    %jit3A_124 = arith.constant -3.000000e+38 : f32
    %broadcast_in_dim3A_125 = vector.shape_cast %gt3A_13 : vector<1x1024xi1> to vector<1x1024xi1>
    %broadcast_in_dim3A_126 = vector.broadcast %broadcast_in_dim3A_125 : vector<1x1024xi1> to vector<128x1024xi1>
    %broadcast_in_dim3A_127 = vector.broadcast %jit3A_124 : f32 to vector<128x1024xf32>
    %select_n3A_128 = arith.select %broadcast_in_dim3A_126, %dot_general3A_123, %broadcast_in_dim3A_127 : vector<128x1024xi1>, vector<128x1024xf32>
    %slice3A_129 = vector.extract_strided_slice %select_n3A_128 {offsets = [0, 0], sizes = [128, 512], strides = [1, 1]} : vector<128x1024xf32> to vector<128x512xf32>
    %slice3A_130 = vector.extract_strided_slice %select_n3A_128 {offsets = [0, 512], sizes = [128, 512], strides = [1, 1]} : vector<128x1024xf32> to vector<128x512xf32>
    %max3A_131 = arith.maximumf %slice3A_129, %slice3A_130 : vector<128x512xf32>
    %slice3A_132 = vector.extract_strided_slice %max3A_131 {offsets = [0, 0], sizes = [128, 256], strides = [1, 1]} : vector<128x512xf32> to vector<128x256xf32>
    %slice3A_133 = vector.extract_strided_slice %max3A_131 {offsets = [0, 256], sizes = [128, 256], strides = [1, 1]} : vector<128x512xf32> to vector<128x256xf32>
    %max3A_134 = arith.maximumf %slice3A_132, %slice3A_133 : vector<128x256xf32>
    %slice3A_135 = vector.extract_strided_slice %max3A_134 {offsets = [0, 0], sizes = [128, 128], strides = [1, 1]} : vector<128x256xf32> to vector<128x128xf32>
    %slice3A_136 = vector.extract_strided_slice %max3A_134 {offsets = [0, 128], sizes = [128, 128], strides = [1, 1]} : vector<128x256xf32> to vector<128x128xf32>
    %max3A_137 = arith.maximumf %slice3A_135, %slice3A_136 : vector<128x128xf32>
    %reduce_max3A_138 = arith.constant dense<0xFF800000> : vector<128xf32>
    %reduce_max3A_139 = vector.multi_reduction <maximumf>, %max3A_137, %reduce_max3A_138 [1] : vector<128x128xf32> to vector<128xf32>
    %mul3A_140 = vector.broadcast %mul3A_11 : vector<1x1024xf32> to vector<128x1024xf32>
    %mul3A_141 = arith.mulf %dot_general3A_123, %mul3A_140 : vector<128x1024xf32>
    %slice3A_142 = vector.extract_strided_slice %mul3A_141 {offsets = [0, 0], sizes = [128, 512], strides = [1, 1]} : vector<128x1024xf32> to vector<128x512xf32>
    %slice3A_143 = vector.extract_strided_slice %mul3A_141 {offsets = [0, 512], sizes = [128, 512], strides = [1, 1]} : vector<128x1024xf32> to vector<128x512xf32>
    %add3A_144 = arith.addf %slice3A_142, %slice3A_143 : vector<128x512xf32>
    %slice3A_145 = vector.extract_strided_slice %add3A_144 {offsets = [0, 0], sizes = [128, 256], strides = [1, 1]} : vector<128x512xf32> to vector<128x256xf32>
    %slice3A_146 = vector.extract_strided_slice %add3A_144 {offsets = [0, 256], sizes = [128, 256], strides = [1, 1]} : vector<128x512xf32> to vector<128x256xf32>
    %add3A_147 = arith.addf %slice3A_145, %slice3A_146 : vector<128x256xf32>
    %slice3A_148 = vector.extract_strided_slice %add3A_147 {offsets = [0, 0], sizes = [128, 128], strides = [1, 1]} : vector<128x256xf32> to vector<128x128xf32>
    %slice3A_149 = vector.extract_strided_slice %add3A_147 {offsets = [0, 128], sizes = [128, 128], strides = [1, 1]} : vector<128x256xf32> to vector<128x128xf32>
    %add3A_150 = arith.addf %slice3A_148, %slice3A_149 : vector<128x128xf32>
    %reduce_sum3A_151 = arith.constant dense<0.000000e+00> : vector<128xf32>
    %reduce_sum3A_152 = vector.multi_reduction <add>, %add3A_150, %reduce_sum3A_151 [1] : vector<128x128xf32> to vector<128xf32>
    %sub3A_153 = arith.subf %reduce_max3A_139, %reduce_sum3A_152 : vector<128xf32>
    %get3A_154 = arith.constant 0 : index
    %get3A_155 = arith.constant 512 : index
    %get3A_156 = arith.constant 0 : index
    %get3A_157 = vector.load %arg1[%get3A_154, %get3A_155, %get3A_156] : memref<1x1024x512xf32, #tpu.memory_space<vmem>>, vector<1x128x512xf32>
    %get3A_158 = vector.shape_cast %get3A_157 : vector<1x128x512xf32> to vector<128x512xf32>
    %dot_general3A_159 = arith.constant dense<0.000000e+00> : vector<128x1024xf32>
    %dot_general3A_160 = tpu.matmul %get3A_158, %get3A_3, %dot_general3A_159 {dimension_numbers = #tpu.dot_dimension_numbers<[1], [1], [0], [0], [0, 0, 1, 0], [], []>, transpose_lhs_hint = false} : vector<128x512xf32>, vector<1024x512xf32>, vector<128x1024xf32> -> vector<128x1024xf32>
    %jit3A_161 = arith.constant -3.000000e+38 : f32
    %broadcast_in_dim3A_162 = vector.shape_cast %gt3A_13 : vector<1x1024xi1> to vector<1x1024xi1>
    %broadcast_in_dim3A_163 = vector.broadcast %broadcast_in_dim3A_162 : vector<1x1024xi1> to vector<128x1024xi1>
    %broadcast_in_dim3A_164 = vector.broadcast %jit3A_161 : f32 to vector<128x1024xf32>
    %select_n3A_165 = arith.select %broadcast_in_dim3A_163, %dot_general3A_160, %broadcast_in_dim3A_164 : vector<128x1024xi1>, vector<128x1024xf32>
    %slice3A_166 = vector.extract_strided_slice %select_n3A_165 {offsets = [0, 0], sizes = [128, 512], strides = [1, 1]} : vector<128x1024xf32> to vector<128x512xf32>
    %slice3A_167 = vector.extract_strided_slice %select_n3A_165 {offsets = [0, 512], sizes = [128, 512], strides = [1, 1]} : vector<128x1024xf32> to vector<128x512xf32>
    %max3A_168 = arith.maximumf %slice3A_166, %slice3A_167 : vector<128x512xf32>
    %slice3A_169 = vector.extract_strided_slice %max3A_168 {offsets = [0, 0], sizes = [128, 256], strides = [1, 1]} : vector<128x512xf32> to vector<128x256xf32>
    %slice3A_170 = vector.extract_strided_slice %max3A_168 {offsets = [0, 256], sizes = [128, 256], strides = [1, 1]} : vector<128x512xf32> to vector<128x256xf32>
    %max3A_171 = arith.maximumf %slice3A_169, %slice3A_170 : vector<128x256xf32>
    %slice3A_172 = vector.extract_strided_slice %max3A_171 {offsets = [0, 0], sizes = [128, 128], strides = [1, 1]} : vector<128x256xf32> to vector<128x128xf32>
    %slice3A_173 = vector.extract_strided_slice %max3A_171 {offsets = [0, 128], sizes = [128, 128], strides = [1, 1]} : vector<128x256xf32> to vector<128x128xf32>
    %max3A_174 = arith.maximumf %slice3A_172, %slice3A_173 : vector<128x128xf32>
    %reduce_max3A_175 = arith.constant dense<0xFF800000> : vector<128xf32>
    %reduce_max3A_176 = vector.multi_reduction <maximumf>, %max3A_174, %reduce_max3A_175 [1] : vector<128x128xf32> to vector<128xf32>
    %mul3A_177 = vector.broadcast %mul3A_11 : vector<1x1024xf32> to vector<128x1024xf32>
    %mul3A_178 = arith.mulf %dot_general3A_160, %mul3A_177 : vector<128x1024xf32>
    %slice3A_179 = vector.extract_strided_slice %mul3A_178 {offsets = [0, 0], sizes = [128, 512], strides = [1, 1]} : vector<128x1024xf32> to vector<128x512xf32>
    %slice3A_180 = vector.extract_strided_slice %mul3A_178 {offsets = [0, 512], sizes = [128, 512], strides = [1, 1]} : vector<128x1024xf32> to vector<128x512xf32>
    %add3A_181 = arith.addf %slice3A_179, %slice3A_180 : vector<128x512xf32>
    %slice3A_182 = vector.extract_strided_slice %add3A_181 {offsets = [0, 0], sizes = [128, 256], strides = [1, 1]} : vector<128x512xf32> to vector<128x256xf32>
    %slice3A_183 = vector.extract_strided_slice %add3A_181 {offsets = [0, 256], sizes = [128, 256], strides = [1, 1]} : vector<128x512xf32> to vector<128x256xf32>
    %add3A_184 = arith.addf %slice3A_182, %slice3A_183 : vector<128x256xf32>
    %slice3A_185 = vector.extract_strided_slice %add3A_184 {offsets = [0, 0], sizes = [128, 128], strides = [1, 1]} : vector<128x256xf32> to vector<128x128xf32>
    %slice3A_186 = vector.extract_strided_slice %add3A_184 {offsets = [0, 128], sizes = [128, 128], strides = [1, 1]} : vector<128x256xf32> to vector<128x128xf32>
    %add3A_187 = arith.addf %slice3A_185, %slice3A_186 : vector<128x128xf32>
    %reduce_sum3A_188 = arith.constant dense<0.000000e+00> : vector<128xf32>
    %reduce_sum3A_189 = vector.multi_reduction <add>, %add3A_187, %reduce_sum3A_188 [1] : vector<128x128xf32> to vector<128xf32>
    %sub3A_190 = arith.subf %reduce_max3A_176, %reduce_sum3A_189 : vector<128xf32>
    %get3A_191 = arith.constant 0 : index
    %get3A_192 = arith.constant 640 : index
    %get3A_193 = arith.constant 0 : index
    %get3A_194 = vector.load %arg1[%get3A_191, %get3A_192, %get3A_193] : memref<1x1024x512xf32, #tpu.memory_space<vmem>>, vector<1x128x512xf32>
    %get3A_195 = vector.shape_cast %get3A_194 : vector<1x128x512xf32> to vector<128x512xf32>
    %dot_general3A_196 = arith.constant dense<0.000000e+00> : vector<128x1024xf32>
    %dot_general3A_197 = tpu.matmul %get3A_195, %get3A_3, %dot_general3A_196 {dimension_numbers = #tpu.dot_dimension_numbers<[1], [1], [0], [0], [0, 0, 1, 0], [], []>, transpose_lhs_hint = false} : vector<128x512xf32>, vector<1024x512xf32>, vector<128x1024xf32> -> vector<128x1024xf32>
    %jit3A_198 = arith.constant -3.000000e+38 : f32
    %broadcast_in_dim3A_199 = vector.shape_cast %gt3A_13 : vector<1x1024xi1> to vector<1x1024xi1>
    %broadcast_in_dim3A_200 = vector.broadcast %broadcast_in_dim3A_199 : vector<1x1024xi1> to vector<128x1024xi1>
    %broadcast_in_dim3A_201 = vector.broadcast %jit3A_198 : f32 to vector<128x1024xf32>
    %select_n3A_202 = arith.select %broadcast_in_dim3A_200, %dot_general3A_197, %broadcast_in_dim3A_201 : vector<128x1024xi1>, vector<128x1024xf32>
    %slice3A_203 = vector.extract_strided_slice %select_n3A_202 {offsets = [0, 0], sizes = [128, 512], strides = [1, 1]} : vector<128x1024xf32> to vector<128x512xf32>
    %slice3A_204 = vector.extract_strided_slice %select_n3A_202 {offsets = [0, 512], sizes = [128, 512], strides = [1, 1]} : vector<128x1024xf32> to vector<128x512xf32>
    %max3A_205 = arith.maximumf %slice3A_203, %slice3A_204 : vector<128x512xf32>
    %slice3A_206 = vector.extract_strided_slice %max3A_205 {offsets = [0, 0], sizes = [128, 256], strides = [1, 1]} : vector<128x512xf32> to vector<128x256xf32>
    %slice3A_207 = vector.extract_strided_slice %max3A_205 {offsets = [0, 256], sizes = [128, 256], strides = [1, 1]} : vector<128x512xf32> to vector<128x256xf32>
    %max3A_208 = arith.maximumf %slice3A_206, %slice3A_207 : vector<128x256xf32>
    %slice3A_209 = vector.extract_strided_slice %max3A_208 {offsets = [0, 0], sizes = [128, 128], strides = [1, 1]} : vector<128x256xf32> to vector<128x128xf32>
    %slice3A_210 = vector.extract_strided_slice %max3A_208 {offsets = [0, 128], sizes = [128, 128], strides = [1, 1]} : vector<128x256xf32> to vector<128x128xf32>
    %max3A_211 = arith.maximumf %slice3A_209, %slice3A_210 : vector<128x128xf32>
    %reduce_max3A_212 = arith.constant dense<0xFF800000> : vector<128xf32>
    %reduce_max3A_213 = vector.multi_reduction <maximumf>, %max3A_211, %reduce_max3A_212 [1] : vector<128x128xf32> to vector<128xf32>
    %mul3A_214 = vector.broadcast %mul3A_11 : vector<1x1024xf32> to vector<128x1024xf32>
    %mul3A_215 = arith.mulf %dot_general3A_197, %mul3A_214 : vector<128x1024xf32>
    %slice3A_216 = vector.extract_strided_slice %mul3A_215 {offsets = [0, 0], sizes = [128, 512], strides = [1, 1]} : vector<128x1024xf32> to vector<128x512xf32>
    %slice3A_217 = vector.extract_strided_slice %mul3A_215 {offsets = [0, 512], sizes = [128, 512], strides = [1, 1]} : vector<128x1024xf32> to vector<128x512xf32>
    %add3A_218 = arith.addf %slice3A_216, %slice3A_217 : vector<128x512xf32>
    %slice3A_219 = vector.extract_strided_slice %add3A_218 {offsets = [0, 0], sizes = [128, 256], strides = [1, 1]} : vector<128x512xf32> to vector<128x256xf32>
    %slice3A_220 = vector.extract_strided_slice %add3A_218 {offsets = [0, 256], sizes = [128, 256], strides = [1, 1]} : vector<128x512xf32> to vector<128x256xf32>
    %add3A_221 = arith.addf %slice3A_219, %slice3A_220 : vector<128x256xf32>
    %slice3A_222 = vector.extract_strided_slice %add3A_221 {offsets = [0, 0], sizes = [128, 128], strides = [1, 1]} : vector<128x256xf32> to vector<128x128xf32>
    %slice3A_223 = vector.extract_strided_slice %add3A_221 {offsets = [0, 128], sizes = [128, 128], strides = [1, 1]} : vector<128x256xf32> to vector<128x128xf32>
    %add3A_224 = arith.addf %slice3A_222, %slice3A_223 : vector<128x128xf32>
    %reduce_sum3A_225 = arith.constant dense<0.000000e+00> : vector<128xf32>
    %reduce_sum3A_226 = vector.multi_reduction <add>, %add3A_224, %reduce_sum3A_225 [1] : vector<128x128xf32> to vector<128xf32>
    %sub3A_227 = arith.subf %reduce_max3A_213, %reduce_sum3A_226 : vector<128xf32>
    %get3A_228 = arith.constant 0 : index
    %get3A_229 = arith.constant 768 : index
    %get3A_230 = arith.constant 0 : index
    %get3A_231 = vector.load %arg1[%get3A_228, %get3A_229, %get3A_230] : memref<1x1024x512xf32, #tpu.memory_space<vmem>>, vector<1x128x512xf32>
    %get3A_232 = vector.shape_cast %get3A_231 : vector<1x128x512xf32> to vector<128x512xf32>
    %dot_general3A_233 = arith.constant dense<0.000000e+00> : vector<128x1024xf32>
    %dot_general3A_234 = tpu.matmul %get3A_232, %get3A_3, %dot_general3A_233 {dimension_numbers = #tpu.dot_dimension_numbers<[1], [1], [0], [0], [0, 0, 1, 0], [], []>, transpose_lhs_hint = false} : vector<128x512xf32>, vector<1024x512xf32>, vector<128x1024xf32> -> vector<128x1024xf32>
    %jit3A_235 = arith.constant -3.000000e+38 : f32
    %broadcast_in_dim3A_236 = vector.shape_cast %gt3A_13 : vector<1x1024xi1> to vector<1x1024xi1>
    %broadcast_in_dim3A_237 = vector.broadcast %broadcast_in_dim3A_236 : vector<1x1024xi1> to vector<128x1024xi1>
    %broadcast_in_dim3A_238 = vector.broadcast %jit3A_235 : f32 to vector<128x1024xf32>
    %select_n3A_239 = arith.select %broadcast_in_dim3A_237, %dot_general3A_234, %broadcast_in_dim3A_238 : vector<128x1024xi1>, vector<128x1024xf32>
    %slice3A_240 = vector.extract_strided_slice %select_n3A_239 {offsets = [0, 0], sizes = [128, 512], strides = [1, 1]} : vector<128x1024xf32> to vector<128x512xf32>
    %slice3A_241 = vector.extract_strided_slice %select_n3A_239 {offsets = [0, 512], sizes = [128, 512], strides = [1, 1]} : vector<128x1024xf32> to vector<128x512xf32>
    %max3A_242 = arith.maximumf %slice3A_240, %slice3A_241 : vector<128x512xf32>
    %slice3A_243 = vector.extract_strided_slice %max3A_242 {offsets = [0, 0], sizes = [128, 256], strides = [1, 1]} : vector<128x512xf32> to vector<128x256xf32>
    %slice3A_244 = vector.extract_strided_slice %max3A_242 {offsets = [0, 256], sizes = [128, 256], strides = [1, 1]} : vector<128x512xf32> to vector<128x256xf32>
    %max3A_245 = arith.maximumf %slice3A_243, %slice3A_244 : vector<128x256xf32>
    %slice3A_246 = vector.extract_strided_slice %max3A_245 {offsets = [0, 0], sizes = [128, 128], strides = [1, 1]} : vector<128x256xf32> to vector<128x128xf32>
    %slice3A_247 = vector.extract_strided_slice %max3A_245 {offsets = [0, 128], sizes = [128, 128], strides = [1, 1]} : vector<128x256xf32> to vector<128x128xf32>
    %max3A_248 = arith.maximumf %slice3A_246, %slice3A_247 : vector<128x128xf32>
    %reduce_max3A_249 = arith.constant dense<0xFF800000> : vector<128xf32>
    %reduce_max3A_250 = vector.multi_reduction <maximumf>, %max3A_248, %reduce_max3A_249 [1] : vector<128x128xf32> to vector<128xf32>
    %mul3A_251 = vector.broadcast %mul3A_11 : vector<1x1024xf32> to vector<128x1024xf32>
    %mul3A_252 = arith.mulf %dot_general3A_234, %mul3A_251 : vector<128x1024xf32>
    %slice3A_253 = vector.extract_strided_slice %mul3A_252 {offsets = [0, 0], sizes = [128, 512], strides = [1, 1]} : vector<128x1024xf32> to vector<128x512xf32>
    %slice3A_254 = vector.extract_strided_slice %mul3A_252 {offsets = [0, 512], sizes = [128, 512], strides = [1, 1]} : vector<128x1024xf32> to vector<128x512xf32>
    %add3A_255 = arith.addf %slice3A_253, %slice3A_254 : vector<128x512xf32>
    %slice3A_256 = vector.extract_strided_slice %add3A_255 {offsets = [0, 0], sizes = [128, 256], strides = [1, 1]} : vector<128x512xf32> to vector<128x256xf32>
    %slice3A_257 = vector.extract_strided_slice %add3A_255 {offsets = [0, 256], sizes = [128, 256], strides = [1, 1]} : vector<128x512xf32> to vector<128x256xf32>
    %add3A_258 = arith.addf %slice3A_256, %slice3A_257 : vector<128x256xf32>
    %slice3A_259 = vector.extract_strided_slice %add3A_258 {offsets = [0, 0], sizes = [128, 128], strides = [1, 1]} : vector<128x256xf32> to vector<128x128xf32>
    %slice3A_260 = vector.extract_strided_slice %add3A_258 {offsets = [0, 128], sizes = [128, 128], strides = [1, 1]} : vector<128x256xf32> to vector<128x128xf32>
    %add3A_261 = arith.addf %slice3A_259, %slice3A_260 : vector<128x128xf32>
    %reduce_sum3A_262 = arith.constant dense<0.000000e+00> : vector<128xf32>
    %reduce_sum3A_263 = vector.multi_reduction <add>, %add3A_261, %reduce_sum3A_262 [1] : vector<128x128xf32> to vector<128xf32>
    %sub3A_264 = arith.subf %reduce_max3A_250, %reduce_sum3A_263 : vector<128xf32>
    %get3A_265 = arith.constant 0 : index
    %get3A_266 = arith.constant 896 : index
    %get3A_267 = arith.constant 0 : index
    %get3A_268 = vector.load %arg1[%get3A_265, %get3A_266, %get3A_267] : memref<1x1024x512xf32, #tpu.memory_space<vmem>>, vector<1x128x512xf32>
    %get3A_269 = vector.shape_cast %get3A_268 : vector<1x128x512xf32> to vector<128x512xf32>
    %dot_general3A_270 = arith.constant dense<0.000000e+00> : vector<128x1024xf32>
    %dot_general3A_271 = tpu.matmul %get3A_269, %get3A_3, %dot_general3A_270 {dimension_numbers = #tpu.dot_dimension_numbers<[1], [1], [0], [0], [0, 0, 1, 0], [], []>, transpose_lhs_hint = false} : vector<128x512xf32>, vector<1024x512xf32>, vector<128x1024xf32> -> vector<128x1024xf32>
    %jit3A_272 = arith.constant -3.000000e+38 : f32
    %broadcast_in_dim3A_273 = vector.shape_cast %gt3A_13 : vector<1x1024xi1> to vector<1x1024xi1>
    %broadcast_in_dim3A_274 = vector.broadcast %broadcast_in_dim3A_273 : vector<1x1024xi1> to vector<128x1024xi1>
    %broadcast_in_dim3A_275 = vector.broadcast %jit3A_272 : f32 to vector<128x1024xf32>
    %select_n3A_276 = arith.select %broadcast_in_dim3A_274, %dot_general3A_271, %broadcast_in_dim3A_275 : vector<128x1024xi1>, vector<128x1024xf32>
    %slice3A_277 = vector.extract_strided_slice %select_n3A_276 {offsets = [0, 0], sizes = [128, 512], strides = [1, 1]} : vector<128x1024xf32> to vector<128x512xf32>
    %slice3A_278 = vector.extract_strided_slice %select_n3A_276 {offsets = [0, 512], sizes = [128, 512], strides = [1, 1]} : vector<128x1024xf32> to vector<128x512xf32>
    %max3A_279 = arith.maximumf %slice3A_277, %slice3A_278 : vector<128x512xf32>
    %slice3A_280 = vector.extract_strided_slice %max3A_279 {offsets = [0, 0], sizes = [128, 256], strides = [1, 1]} : vector<128x512xf32> to vector<128x256xf32>
    %slice3A_281 = vector.extract_strided_slice %max3A_279 {offsets = [0, 256], sizes = [128, 256], strides = [1, 1]} : vector<128x512xf32> to vector<128x256xf32>
    %max3A_282 = arith.maximumf %slice3A_280, %slice3A_281 : vector<128x256xf32>
    %slice3A_283 = vector.extract_strided_slice %max3A_282 {offsets = [0, 0], sizes = [128, 128], strides = [1, 1]} : vector<128x256xf32> to vector<128x128xf32>
    %slice3A_284 = vector.extract_strided_slice %max3A_282 {offsets = [0, 128], sizes = [128, 128], strides = [1, 1]} : vector<128x256xf32> to vector<128x128xf32>
    %max3A_285 = arith.maximumf %slice3A_283, %slice3A_284 : vector<128x128xf32>
    %reduce_max3A_286 = arith.constant dense<0xFF800000> : vector<128xf32>
    %reduce_max3A_287 = vector.multi_reduction <maximumf>, %max3A_285, %reduce_max3A_286 [1] : vector<128x128xf32> to vector<128xf32>
    %mul3A_288 = vector.broadcast %mul3A_11 : vector<1x1024xf32> to vector<128x1024xf32>
    %mul3A_289 = arith.mulf %dot_general3A_271, %mul3A_288 : vector<128x1024xf32>
    %slice3A_290 = vector.extract_strided_slice %mul3A_289 {offsets = [0, 0], sizes = [128, 512], strides = [1, 1]} : vector<128x1024xf32> to vector<128x512xf32>
    %slice3A_291 = vector.extract_strided_slice %mul3A_289 {offsets = [0, 512], sizes = [128, 512], strides = [1, 1]} : vector<128x1024xf32> to vector<128x512xf32>
    %add3A_292 = arith.addf %slice3A_290, %slice3A_291 : vector<128x512xf32>
    %slice3A_293 = vector.extract_strided_slice %add3A_292 {offsets = [0, 0], sizes = [128, 256], strides = [1, 1]} : vector<128x512xf32> to vector<128x256xf32>
    %slice3A_294 = vector.extract_strided_slice %add3A_292 {offsets = [0, 256], sizes = [128, 256], strides = [1, 1]} : vector<128x512xf32> to vector<128x256xf32>
    %add3A_295 = arith.addf %slice3A_293, %slice3A_294 : vector<128x256xf32>
    %slice3A_296 = vector.extract_strided_slice %add3A_295 {offsets = [0, 0], sizes = [128, 128], strides = [1, 1]} : vector<128x256xf32> to vector<128x128xf32>
    %slice3A_297 = vector.extract_strided_slice %add3A_295 {offsets = [0, 128], sizes = [128, 128], strides = [1, 1]} : vector<128x256xf32> to vector<128x128xf32>
    %add3A_298 = arith.addf %slice3A_296, %slice3A_297 : vector<128x128xf32>
    %reduce_sum3A_299 = arith.constant dense<0.000000e+00> : vector<128xf32>
    %reduce_sum3A_300 = vector.multi_reduction <add>, %add3A_298, %reduce_sum3A_299 [1] : vector<128x128xf32> to vector<128xf32>
    %sub3A_301 = arith.subf %reduce_max3A_287, %reduce_sum3A_300 : vector<128xf32>
    %concatenate3A = tpu.concatenate %sub3A, %sub3A_79, %sub3A_116, %sub3A_153, %sub3A_190, %sub3A_227, %sub3A_264, %sub3A_301 in 0 : vector<128xf32>, vector<128xf32>, vector<128xf32>, vector<128xf32>, vector<128xf32>, vector<128xf32>, vector<128xf32>, vector<128xf32> -> vector<1024xf32>
    %broadcast_in_dim3A_302 = vector.shape_cast %concatenate3A : vector<1024xf32> to vector<1x1024xf32>
    %reshape3A = vector.shape_cast %broadcast_in_dim3A_302 : vector<1x1024xf32> to vector<1024x1xf32>
    %iota3A = tpu.iota {dimensions = array<i32: 1>} : vector<1x1024xi32>
    %slice3A_303 = vector.extract_strided_slice %reshape3A {offsets = [0, 0], sizes = [128, 1], strides = [1, 1]} : vector<1024x1xf32> to vector<128x1xf32>
    %iota3A_304 = tpu.iota {dimensions = array<i32: 0>} : vector<128x1xi32>
    %add3A_305 = arith.constant 0 : i32
    %add3A_306 = vector.broadcast %add3A_305 : i32 to vector<128x1xi32>
    %add3A_307 = arith.addi %iota3A_304, %add3A_306 : vector<128x1xi32>
    %gt3A_308 = vector.broadcast %broadcast_in_dim3A_302 : vector<1x1024xf32> to vector<128x1024xf32>
    %gt3A_309 = vector.broadcast %slice3A_303 : vector<128x1xf32> to vector<128x1024xf32>
    %gt3A_310 = arith.cmpf ogt, %gt3A_308, %gt3A_309 : vector<128x1024xf32>
    %eq3A = vector.broadcast %broadcast_in_dim3A_302 : vector<1x1024xf32> to vector<128x1024xf32>
    %eq3A_311 = vector.broadcast %slice3A_303 : vector<128x1xf32> to vector<128x1024xf32>
    %eq3A_312 = arith.cmpf oeq, %eq3A, %eq3A_311 : vector<128x1024xf32>
    %lt3A = vector.broadcast %iota3A : vector<1x1024xi32> to vector<128x1024xi32>
    %lt3A_313 = vector.broadcast %add3A_307 : vector<128x1xi32> to vector<128x1024xi32>
    %lt3A_314 = arith.cmpi slt, %lt3A, %lt3A_313 : vector<128x1024xi32>
    %and3A = arith.andi %eq3A_312, %lt3A_314 : vector<128x1024xi1>
    %or3A = arith.ori %gt3A_310, %and3A : vector<128x1024xi1>
    %jit3A_315 = arith.constant 1.000000e+00 : f32
    %jit3A_316 = arith.constant 0.000000e+00 : f32
    %broadcast_in_dim3A_317 = vector.broadcast %jit3A_315 : f32 to vector<128x1024xf32>
    %broadcast_in_dim3A_318 = vector.broadcast %jit3A_316 : f32 to vector<128x1024xf32>
    %select_n3A_319 = arith.select %or3A, %broadcast_in_dim3A_317, %broadcast_in_dim3A_318 : vector<128x1024xi1>, vector<128x1024xf32>
    %slice3A_320 = vector.extract_strided_slice %select_n3A_319 {offsets = [0, 0], sizes = [128, 512], strides = [1, 1]} : vector<128x1024xf32> to vector<128x512xf32>
    %slice3A_321 = vector.extract_strided_slice %select_n3A_319 {offsets = [0, 512], sizes = [128, 512], strides = [1, 1]} : vector<128x1024xf32> to vector<128x512xf32>
    %add3A_322 = arith.addf %slice3A_320, %slice3A_321 : vector<128x512xf32>
    %slice3A_323 = vector.extract_strided_slice %add3A_322 {offsets = [0, 0], sizes = [128, 256], strides = [1, 1]} : vector<128x512xf32> to vector<128x256xf32>
    %slice3A_324 = vector.extract_strided_slice %add3A_322 {offsets = [0, 256], sizes = [128, 256], strides = [1, 1]} : vector<128x512xf32> to vector<128x256xf32>
    %add3A_325 = arith.addf %slice3A_323, %slice3A_324 : vector<128x256xf32>
    %slice3A_326 = vector.extract_strided_slice %add3A_325 {offsets = [0, 0], sizes = [128, 128], strides = [1, 1]} : vector<128x256xf32> to vector<128x128xf32>
    %slice3A_327 = vector.extract_strided_slice %add3A_325 {offsets = [0, 128], sizes = [128, 128], strides = [1, 1]} : vector<128x256xf32> to vector<128x128xf32>
    %add3A_328 = arith.addf %slice3A_326, %slice3A_327 : vector<128x128xf32>
    %reduce_sum3A_329 = arith.constant dense<0.000000e+00> : vector<128xf32>
    %reduce_sum3A_330 = vector.multi_reduction <add>, %add3A_328, %reduce_sum3A_329 [1] : vector<128x128xf32> to vector<128xf32>
    %broadcast_in_dim3A_331 = vector.shape_cast %reduce_sum3A_330 : vector<128xf32> to vector<128x1xf32>
    %slice3A_332 = vector.extract_strided_slice %reshape3A {offsets = [128, 0], sizes = [128, 1], strides = [1, 1]} : vector<1024x1xf32> to vector<128x1xf32>
    %iota3A_333 = tpu.iota {dimensions = array<i32: 0>} : vector<128x1xi32>
    %add3A_334 = arith.constant 128 : i32
    %add3A_335 = vector.broadcast %add3A_334 : i32 to vector<128x1xi32>
    %add3A_336 = arith.addi %iota3A_333, %add3A_335 : vector<128x1xi32>
    %gt3A_337 = vector.broadcast %broadcast_in_dim3A_302 : vector<1x1024xf32> to vector<128x1024xf32>
    %gt3A_338 = vector.broadcast %slice3A_332 : vector<128x1xf32> to vector<128x1024xf32>
    %gt3A_339 = arith.cmpf ogt, %gt3A_337, %gt3A_338 : vector<128x1024xf32>
    %eq3A_340 = vector.broadcast %broadcast_in_dim3A_302 : vector<1x1024xf32> to vector<128x1024xf32>
    %eq3A_341 = vector.broadcast %slice3A_332 : vector<128x1xf32> to vector<128x1024xf32>
    %eq3A_342 = arith.cmpf oeq, %eq3A_340, %eq3A_341 : vector<128x1024xf32>
    %lt3A_343 = vector.broadcast %iota3A : vector<1x1024xi32> to vector<128x1024xi32>
    %lt3A_344 = vector.broadcast %add3A_336 : vector<128x1xi32> to vector<128x1024xi32>
    %lt3A_345 = arith.cmpi slt, %lt3A_343, %lt3A_344 : vector<128x1024xi32>
    %and3A_346 = arith.andi %eq3A_342, %lt3A_345 : vector<128x1024xi1>
    %or3A_347 = arith.ori %gt3A_339, %and3A_346 : vector<128x1024xi1>
    %jit3A_348 = arith.constant 1.000000e+00 : f32
    %jit3A_349 = arith.constant 0.000000e+00 : f32
    %broadcast_in_dim3A_350 = vector.broadcast %jit3A_348 : f32 to vector<128x1024xf32>
    %broadcast_in_dim3A_351 = vector.broadcast %jit3A_349 : f32 to vector<128x1024xf32>
    %select_n3A_352 = arith.select %or3A_347, %broadcast_in_dim3A_350, %broadcast_in_dim3A_351 : vector<128x1024xi1>, vector<128x1024xf32>
    %slice3A_353 = vector.extract_strided_slice %select_n3A_352 {offsets = [0, 0], sizes = [128, 512], strides = [1, 1]} : vector<128x1024xf32> to vector<128x512xf32>
    %slice3A_354 = vector.extract_strided_slice %select_n3A_352 {offsets = [0, 512], sizes = [128, 512], strides = [1, 1]} : vector<128x1024xf32> to vector<128x512xf32>
    %add3A_355 = arith.addf %slice3A_353, %slice3A_354 : vector<128x512xf32>
    %slice3A_356 = vector.extract_strided_slice %add3A_355 {offsets = [0, 0], sizes = [128, 256], strides = [1, 1]} : vector<128x512xf32> to vector<128x256xf32>
    %slice3A_357 = vector.extract_strided_slice %add3A_355 {offsets = [0, 256], sizes = [128, 256], strides = [1, 1]} : vector<128x512xf32> to vector<128x256xf32>
    %add3A_358 = arith.addf %slice3A_356, %slice3A_357 : vector<128x256xf32>
    %slice3A_359 = vector.extract_strided_slice %add3A_358 {offsets = [0, 0], sizes = [128, 128], strides = [1, 1]} : vector<128x256xf32> to vector<128x128xf32>
    %slice3A_360 = vector.extract_strided_slice %add3A_358 {offsets = [0, 128], sizes = [128, 128], strides = [1, 1]} : vector<128x256xf32> to vector<128x128xf32>
    %add3A_361 = arith.addf %slice3A_359, %slice3A_360 : vector<128x128xf32>
    %reduce_sum3A_362 = arith.constant dense<0.000000e+00> : vector<128xf32>
    %reduce_sum3A_363 = vector.multi_reduction <add>, %add3A_361, %reduce_sum3A_362 [1] : vector<128x128xf32> to vector<128xf32>
    %broadcast_in_dim3A_364 = vector.shape_cast %reduce_sum3A_363 : vector<128xf32> to vector<128x1xf32>
    %slice3A_365 = vector.extract_strided_slice %reshape3A {offsets = [256, 0], sizes = [128, 1], strides = [1, 1]} : vector<1024x1xf32> to vector<128x1xf32>
    %iota3A_366 = tpu.iota {dimensions = array<i32: 0>} : vector<128x1xi32>
    %add3A_367 = arith.constant 256 : i32
    %add3A_368 = vector.broadcast %add3A_367 : i32 to vector<128x1xi32>
    %add3A_369 = arith.addi %iota3A_366, %add3A_368 : vector<128x1xi32>
    %gt3A_370 = vector.broadcast %broadcast_in_dim3A_302 : vector<1x1024xf32> to vector<128x1024xf32>
    %gt3A_371 = vector.broadcast %slice3A_365 : vector<128x1xf32> to vector<128x1024xf32>
    %gt3A_372 = arith.cmpf ogt, %gt3A_370, %gt3A_371 : vector<128x1024xf32>
    %eq3A_373 = vector.broadcast %broadcast_in_dim3A_302 : vector<1x1024xf32> to vector<128x1024xf32>
    %eq3A_374 = vector.broadcast %slice3A_365 : vector<128x1xf32> to vector<128x1024xf32>
    %eq3A_375 = arith.cmpf oeq, %eq3A_373, %eq3A_374 : vector<128x1024xf32>
    %lt3A_376 = vector.broadcast %iota3A : vector<1x1024xi32> to vector<128x1024xi32>
    %lt3A_377 = vector.broadcast %add3A_369 : vector<128x1xi32> to vector<128x1024xi32>
    %lt3A_378 = arith.cmpi slt, %lt3A_376, %lt3A_377 : vector<128x1024xi32>
    %and3A_379 = arith.andi %eq3A_375, %lt3A_378 : vector<128x1024xi1>
    %or3A_380 = arith.ori %gt3A_372, %and3A_379 : vector<128x1024xi1>
    %jit3A_381 = arith.constant 1.000000e+00 : f32
    %jit3A_382 = arith.constant 0.000000e+00 : f32
    %broadcast_in_dim3A_383 = vector.broadcast %jit3A_381 : f32 to vector<128x1024xf32>
    %broadcast_in_dim3A_384 = vector.broadcast %jit3A_382 : f32 to vector<128x1024xf32>
    %select_n3A_385 = arith.select %or3A_380, %broadcast_in_dim3A_383, %broadcast_in_dim3A_384 : vector<128x1024xi1>, vector<128x1024xf32>
    %slice3A_386 = vector.extract_strided_slice %select_n3A_385 {offsets = [0, 0], sizes = [128, 512], strides = [1, 1]} : vector<128x1024xf32> to vector<128x512xf32>
    %slice3A_387 = vector.extract_strided_slice %select_n3A_385 {offsets = [0, 512], sizes = [128, 512], strides = [1, 1]} : vector<128x1024xf32> to vector<128x512xf32>
    %add3A_388 = arith.addf %slice3A_386, %slice3A_387 : vector<128x512xf32>
    %slice3A_389 = vector.extract_strided_slice %add3A_388 {offsets = [0, 0], sizes = [128, 256], strides = [1, 1]} : vector<128x512xf32> to vector<128x256xf32>
    %slice3A_390 = vector.extract_strided_slice %add3A_388 {offsets = [0, 256], sizes = [128, 256], strides = [1, 1]} : vector<128x512xf32> to vector<128x256xf32>
    %add3A_391 = arith.addf %slice3A_389, %slice3A_390 : vector<128x256xf32>
    %slice3A_392 = vector.extract_strided_slice %add3A_391 {offsets = [0, 0], sizes = [128, 128], strides = [1, 1]} : vector<128x256xf32> to vector<128x128xf32>
    %slice3A_393 = vector.extract_strided_slice %add3A_391 {offsets = [0, 128], sizes = [128, 128], strides = [1, 1]} : vector<128x256xf32> to vector<128x128xf32>
    %add3A_394 = arith.addf %slice3A_392, %slice3A_393 : vector<128x128xf32>
    %reduce_sum3A_395 = arith.constant dense<0.000000e+00> : vector<128xf32>
    %reduce_sum3A_396 = vector.multi_reduction <add>, %add3A_394, %reduce_sum3A_395 [1] : vector<128x128xf32> to vector<128xf32>
    %broadcast_in_dim3A_397 = vector.shape_cast %reduce_sum3A_396 : vector<128xf32> to vector<128x1xf32>
    %slice3A_398 = vector.extract_strided_slice %reshape3A {offsets = [384, 0], sizes = [128, 1], strides = [1, 1]} : vector<1024x1xf32> to vector<128x1xf32>
    %iota3A_399 = tpu.iota {dimensions = array<i32: 0>} : vector<128x1xi32>
    %add3A_400 = arith.constant 384 : i32
    %add3A_401 = vector.broadcast %add3A_400 : i32 to vector<128x1xi32>
    %add3A_402 = arith.addi %iota3A_399, %add3A_401 : vector<128x1xi32>
    %gt3A_403 = vector.broadcast %broadcast_in_dim3A_302 : vector<1x1024xf32> to vector<128x1024xf32>
    %gt3A_404 = vector.broadcast %slice3A_398 : vector<128x1xf32> to vector<128x1024xf32>
    %gt3A_405 = arith.cmpf ogt, %gt3A_403, %gt3A_404 : vector<128x1024xf32>
    %eq3A_406 = vector.broadcast %broadcast_in_dim3A_302 : vector<1x1024xf32> to vector<128x1024xf32>
    %eq3A_407 = vector.broadcast %slice3A_398 : vector<128x1xf32> to vector<128x1024xf32>
    %eq3A_408 = arith.cmpf oeq, %eq3A_406, %eq3A_407 : vector<128x1024xf32>
    %lt3A_409 = vector.broadcast %iota3A : vector<1x1024xi32> to vector<128x1024xi32>
    %lt3A_410 = vector.broadcast %add3A_402 : vector<128x1xi32> to vector<128x1024xi32>
    %lt3A_411 = arith.cmpi slt, %lt3A_409, %lt3A_410 : vector<128x1024xi32>
    %and3A_412 = arith.andi %eq3A_408, %lt3A_411 : vector<128x1024xi1>
    %or3A_413 = arith.ori %gt3A_405, %and3A_412 : vector<128x1024xi1>
    %jit3A_414 = arith.constant 1.000000e+00 : f32
    %jit3A_415 = arith.constant 0.000000e+00 : f32
    %broadcast_in_dim3A_416 = vector.broadcast %jit3A_414 : f32 to vector<128x1024xf32>
    %broadcast_in_dim3A_417 = vector.broadcast %jit3A_415 : f32 to vector<128x1024xf32>
    %select_n3A_418 = arith.select %or3A_413, %broadcast_in_dim3A_416, %broadcast_in_dim3A_417 : vector<128x1024xi1>, vector<128x1024xf32>
    %slice3A_419 = vector.extract_strided_slice %select_n3A_418 {offsets = [0, 0], sizes = [128, 512], strides = [1, 1]} : vector<128x1024xf32> to vector<128x512xf32>
    %slice3A_420 = vector.extract_strided_slice %select_n3A_418 {offsets = [0, 512], sizes = [128, 512], strides = [1, 1]} : vector<128x1024xf32> to vector<128x512xf32>
    %add3A_421 = arith.addf %slice3A_419, %slice3A_420 : vector<128x512xf32>
    %slice3A_422 = vector.extract_strided_slice %add3A_421 {offsets = [0, 0], sizes = [128, 256], strides = [1, 1]} : vector<128x512xf32> to vector<128x256xf32>
    %slice3A_423 = vector.extract_strided_slice %add3A_421 {offsets = [0, 256], sizes = [128, 256], strides = [1, 1]} : vector<128x512xf32> to vector<128x256xf32>
    %add3A_424 = arith.addf %slice3A_422, %slice3A_423 : vector<128x256xf32>
    %slice3A_425 = vector.extract_strided_slice %add3A_424 {offsets = [0, 0], sizes = [128, 128], strides = [1, 1]} : vector<128x256xf32> to vector<128x128xf32>
    %slice3A_426 = vector.extract_strided_slice %add3A_424 {offsets = [0, 128], sizes = [128, 128], strides = [1, 1]} : vector<128x256xf32> to vector<128x128xf32>
    %add3A_427 = arith.addf %slice3A_425, %slice3A_426 : vector<128x128xf32>
    %reduce_sum3A_428 = arith.constant dense<0.000000e+00> : vector<128xf32>
    %reduce_sum3A_429 = vector.multi_reduction <add>, %add3A_427, %reduce_sum3A_428 [1] : vector<128x128xf32> to vector<128xf32>
    %broadcast_in_dim3A_430 = vector.shape_cast %reduce_sum3A_429 : vector<128xf32> to vector<128x1xf32>
    %slice3A_431 = vector.extract_strided_slice %reshape3A {offsets = [512, 0], sizes = [128, 1], strides = [1, 1]} : vector<1024x1xf32> to vector<128x1xf32>
    %iota3A_432 = tpu.iota {dimensions = array<i32: 0>} : vector<128x1xi32>
    %add3A_433 = arith.constant 512 : i32
    %add3A_434 = vector.broadcast %add3A_433 : i32 to vector<128x1xi32>
    %add3A_435 = arith.addi %iota3A_432, %add3A_434 : vector<128x1xi32>
    %gt3A_436 = vector.broadcast %broadcast_in_dim3A_302 : vector<1x1024xf32> to vector<128x1024xf32>
    %gt3A_437 = vector.broadcast %slice3A_431 : vector<128x1xf32> to vector<128x1024xf32>
    %gt3A_438 = arith.cmpf ogt, %gt3A_436, %gt3A_437 : vector<128x1024xf32>
    %eq3A_439 = vector.broadcast %broadcast_in_dim3A_302 : vector<1x1024xf32> to vector<128x1024xf32>
    %eq3A_440 = vector.broadcast %slice3A_431 : vector<128x1xf32> to vector<128x1024xf32>
    %eq3A_441 = arith.cmpf oeq, %eq3A_439, %eq3A_440 : vector<128x1024xf32>
    %lt3A_442 = vector.broadcast %iota3A : vector<1x1024xi32> to vector<128x1024xi32>
    %lt3A_443 = vector.broadcast %add3A_435 : vector<128x1xi32> to vector<128x1024xi32>
    %lt3A_444 = arith.cmpi slt, %lt3A_442, %lt3A_443 : vector<128x1024xi32>
    %and3A_445 = arith.andi %eq3A_441, %lt3A_444 : vector<128x1024xi1>
    %or3A_446 = arith.ori %gt3A_438, %and3A_445 : vector<128x1024xi1>
    %jit3A_447 = arith.constant 1.000000e+00 : f32
    %jit3A_448 = arith.constant 0.000000e+00 : f32
    %broadcast_in_dim3A_449 = vector.broadcast %jit3A_447 : f32 to vector<128x1024xf32>
    %broadcast_in_dim3A_450 = vector.broadcast %jit3A_448 : f32 to vector<128x1024xf32>
    %select_n3A_451 = arith.select %or3A_446, %broadcast_in_dim3A_449, %broadcast_in_dim3A_450 : vector<128x1024xi1>, vector<128x1024xf32>
    %slice3A_452 = vector.extract_strided_slice %select_n3A_451 {offsets = [0, 0], sizes = [128, 512], strides = [1, 1]} : vector<128x1024xf32> to vector<128x512xf32>
    %slice3A_453 = vector.extract_strided_slice %select_n3A_451 {offsets = [0, 512], sizes = [128, 512], strides = [1, 1]} : vector<128x1024xf32> to vector<128x512xf32>
    %add3A_454 = arith.addf %slice3A_452, %slice3A_453 : vector<128x512xf32>
    %slice3A_455 = vector.extract_strided_slice %add3A_454 {offsets = [0, 0], sizes = [128, 256], strides = [1, 1]} : vector<128x512xf32> to vector<128x256xf32>
    %slice3A_456 = vector.extract_strided_slice %add3A_454 {offsets = [0, 256], sizes = [128, 256], strides = [1, 1]} : vector<128x512xf32> to vector<128x256xf32>
    %add3A_457 = arith.addf %slice3A_455, %slice3A_456 : vector<128x256xf32>
    %slice3A_458 = vector.extract_strided_slice %add3A_457 {offsets = [0, 0], sizes = [128, 128], strides = [1, 1]} : vector<128x256xf32> to vector<128x128xf32>
    %slice3A_459 = vector.extract_strided_slice %add3A_457 {offsets = [0, 128], sizes = [128, 128], strides = [1, 1]} : vector<128x256xf32> to vector<128x128xf32>
    %add3A_460 = arith.addf %slice3A_458, %slice3A_459 : vector<128x128xf32>
    %reduce_sum3A_461 = arith.constant dense<0.000000e+00> : vector<128xf32>
    %reduce_sum3A_462 = vector.multi_reduction <add>, %add3A_460, %reduce_sum3A_461 [1] : vector<128x128xf32> to vector<128xf32>
    %broadcast_in_dim3A_463 = vector.shape_cast %reduce_sum3A_462 : vector<128xf32> to vector<128x1xf32>
    %slice3A_464 = vector.extract_strided_slice %reshape3A {offsets = [640, 0], sizes = [128, 1], strides = [1, 1]} : vector<1024x1xf32> to vector<128x1xf32>
    %iota3A_465 = tpu.iota {dimensions = array<i32: 0>} : vector<128x1xi32>
    %add3A_466 = arith.constant 640 : i32
    %add3A_467 = vector.broadcast %add3A_466 : i32 to vector<128x1xi32>
    %add3A_468 = arith.addi %iota3A_465, %add3A_467 : vector<128x1xi32>
    %gt3A_469 = vector.broadcast %broadcast_in_dim3A_302 : vector<1x1024xf32> to vector<128x1024xf32>
    %gt3A_470 = vector.broadcast %slice3A_464 : vector<128x1xf32> to vector<128x1024xf32>
    %gt3A_471 = arith.cmpf ogt, %gt3A_469, %gt3A_470 : vector<128x1024xf32>
    %eq3A_472 = vector.broadcast %broadcast_in_dim3A_302 : vector<1x1024xf32> to vector<128x1024xf32>
    %eq3A_473 = vector.broadcast %slice3A_464 : vector<128x1xf32> to vector<128x1024xf32>
    %eq3A_474 = arith.cmpf oeq, %eq3A_472, %eq3A_473 : vector<128x1024xf32>
    %lt3A_475 = vector.broadcast %iota3A : vector<1x1024xi32> to vector<128x1024xi32>
    %lt3A_476 = vector.broadcast %add3A_468 : vector<128x1xi32> to vector<128x1024xi32>
    %lt3A_477 = arith.cmpi slt, %lt3A_475, %lt3A_476 : vector<128x1024xi32>
    %and3A_478 = arith.andi %eq3A_474, %lt3A_477 : vector<128x1024xi1>
    %or3A_479 = arith.ori %gt3A_471, %and3A_478 : vector<128x1024xi1>
    %jit3A_480 = arith.constant 1.000000e+00 : f32
    %jit3A_481 = arith.constant 0.000000e+00 : f32
    %broadcast_in_dim3A_482 = vector.broadcast %jit3A_480 : f32 to vector<128x1024xf32>
    %broadcast_in_dim3A_483 = vector.broadcast %jit3A_481 : f32 to vector<128x1024xf32>
    %select_n3A_484 = arith.select %or3A_479, %broadcast_in_dim3A_482, %broadcast_in_dim3A_483 : vector<128x1024xi1>, vector<128x1024xf32>
    %slice3A_485 = vector.extract_strided_slice %select_n3A_484 {offsets = [0, 0], sizes = [128, 512], strides = [1, 1]} : vector<128x1024xf32> to vector<128x512xf32>
    %slice3A_486 = vector.extract_strided_slice %select_n3A_484 {offsets = [0, 512], sizes = [128, 512], strides = [1, 1]} : vector<128x1024xf32> to vector<128x512xf32>
    %add3A_487 = arith.addf %slice3A_485, %slice3A_486 : vector<128x512xf32>
    %slice3A_488 = vector.extract_strided_slice %add3A_487 {offsets = [0, 0], sizes = [128, 256], strides = [1, 1]} : vector<128x512xf32> to vector<128x256xf32>
    %slice3A_489 = vector.extract_strided_slice %add3A_487 {offsets = [0, 256], sizes = [128, 256], strides = [1, 1]} : vector<128x512xf32> to vector<128x256xf32>
    %add3A_490 = arith.addf %slice3A_488, %slice3A_489 : vector<128x256xf32>
    %slice3A_491 = vector.extract_strided_slice %add3A_490 {offsets = [0, 0], sizes = [128, 128], strides = [1, 1]} : vector<128x256xf32> to vector<128x128xf32>
    %slice3A_492 = vector.extract_strided_slice %add3A_490 {offsets = [0, 128], sizes = [128, 128], strides = [1, 1]} : vector<128x256xf32> to vector<128x128xf32>
    %add3A_493 = arith.addf %slice3A_491, %slice3A_492 : vector<128x128xf32>
    %reduce_sum3A_494 = arith.constant dense<0.000000e+00> : vector<128xf32>
    %reduce_sum3A_495 = vector.multi_reduction <add>, %add3A_493, %reduce_sum3A_494 [1] : vector<128x128xf32> to vector<128xf32>
    %broadcast_in_dim3A_496 = vector.shape_cast %reduce_sum3A_495 : vector<128xf32> to vector<128x1xf32>
    %slice3A_497 = vector.extract_strided_slice %reshape3A {offsets = [768, 0], sizes = [128, 1], strides = [1, 1]} : vector<1024x1xf32> to vector<128x1xf32>
    %iota3A_498 = tpu.iota {dimensions = array<i32: 0>} : vector<128x1xi32>
    %add3A_499 = arith.constant 768 : i32
    %add3A_500 = vector.broadcast %add3A_499 : i32 to vector<128x1xi32>
    %add3A_501 = arith.addi %iota3A_498, %add3A_500 : vector<128x1xi32>
    %gt3A_502 = vector.broadcast %broadcast_in_dim3A_302 : vector<1x1024xf32> to vector<128x1024xf32>
    %gt3A_503 = vector.broadcast %slice3A_497 : vector<128x1xf32> to vector<128x1024xf32>
    %gt3A_504 = arith.cmpf ogt, %gt3A_502, %gt3A_503 : vector<128x1024xf32>
    %eq3A_505 = vector.broadcast %broadcast_in_dim3A_302 : vector<1x1024xf32> to vector<128x1024xf32>
    %eq3A_506 = vector.broadcast %slice3A_497 : vector<128x1xf32> to vector<128x1024xf32>
    %eq3A_507 = arith.cmpf oeq, %eq3A_505, %eq3A_506 : vector<128x1024xf32>
    %lt3A_508 = vector.broadcast %iota3A : vector<1x1024xi32> to vector<128x1024xi32>
    %lt3A_509 = vector.broadcast %add3A_501 : vector<128x1xi32> to vector<128x1024xi32>
    %lt3A_510 = arith.cmpi slt, %lt3A_508, %lt3A_509 : vector<128x1024xi32>
    %and3A_511 = arith.andi %eq3A_507, %lt3A_510 : vector<128x1024xi1>
    %or3A_512 = arith.ori %gt3A_504, %and3A_511 : vector<128x1024xi1>
    %jit3A_513 = arith.constant 1.000000e+00 : f32
    %jit3A_514 = arith.constant 0.000000e+00 : f32
    %broadcast_in_dim3A_515 = vector.broadcast %jit3A_513 : f32 to vector<128x1024xf32>
    %broadcast_in_dim3A_516 = vector.broadcast %jit3A_514 : f32 to vector<128x1024xf32>
    %select_n3A_517 = arith.select %or3A_512, %broadcast_in_dim3A_515, %broadcast_in_dim3A_516 : vector<128x1024xi1>, vector<128x1024xf32>
    %slice3A_518 = vector.extract_strided_slice %select_n3A_517 {offsets = [0, 0], sizes = [128, 512], strides = [1, 1]} : vector<128x1024xf32> to vector<128x512xf32>
    %slice3A_519 = vector.extract_strided_slice %select_n3A_517 {offsets = [0, 512], sizes = [128, 512], strides = [1, 1]} : vector<128x1024xf32> to vector<128x512xf32>
    %add3A_520 = arith.addf %slice3A_518, %slice3A_519 : vector<128x512xf32>
    %slice3A_521 = vector.extract_strided_slice %add3A_520 {offsets = [0, 0], sizes = [128, 256], strides = [1, 1]} : vector<128x512xf32> to vector<128x256xf32>
    %slice3A_522 = vector.extract_strided_slice %add3A_520 {offsets = [0, 256], sizes = [128, 256], strides = [1, 1]} : vector<128x512xf32> to vector<128x256xf32>
    %add3A_523 = arith.addf %slice3A_521, %slice3A_522 : vector<128x256xf32>
    %slice3A_524 = vector.extract_strided_slice %add3A_523 {offsets = [0, 0], sizes = [128, 128], strides = [1, 1]} : vector<128x256xf32> to vector<128x128xf32>
    %slice3A_525 = vector.extract_strided_slice %add3A_523 {offsets = [0, 128], sizes = [128, 128], strides = [1, 1]} : vector<128x256xf32> to vector<128x128xf32>
    %add3A_526 = arith.addf %slice3A_524, %slice3A_525 : vector<128x128xf32>
    %reduce_sum3A_527 = arith.constant dense<0.000000e+00> : vector<128xf32>
    %reduce_sum3A_528 = vector.multi_reduction <add>, %add3A_526, %reduce_sum3A_527 [1] : vector<128x128xf32> to vector<128xf32>
    %broadcast_in_dim3A_529 = vector.shape_cast %reduce_sum3A_528 : vector<128xf32> to vector<128x1xf32>
    %slice3A_530 = vector.extract_strided_slice %reshape3A {offsets = [896, 0], sizes = [128, 1], strides = [1, 1]} : vector<1024x1xf32> to vector<128x1xf32>
    %iota3A_531 = tpu.iota {dimensions = array<i32: 0>} : vector<128x1xi32>
    %add3A_532 = arith.constant 896 : i32
    %add3A_533 = vector.broadcast %add3A_532 : i32 to vector<128x1xi32>
    %add3A_534 = arith.addi %iota3A_531, %add3A_533 : vector<128x1xi32>
    %gt3A_535 = vector.broadcast %broadcast_in_dim3A_302 : vector<1x1024xf32> to vector<128x1024xf32>
    %gt3A_536 = vector.broadcast %slice3A_530 : vector<128x1xf32> to vector<128x1024xf32>
    %gt3A_537 = arith.cmpf ogt, %gt3A_535, %gt3A_536 : vector<128x1024xf32>
    %eq3A_538 = vector.broadcast %broadcast_in_dim3A_302 : vector<1x1024xf32> to vector<128x1024xf32>
    %eq3A_539 = vector.broadcast %slice3A_530 : vector<128x1xf32> to vector<128x1024xf32>
    %eq3A_540 = arith.cmpf oeq, %eq3A_538, %eq3A_539 : vector<128x1024xf32>
    %lt3A_541 = vector.broadcast %iota3A : vector<1x1024xi32> to vector<128x1024xi32>
    %lt3A_542 = vector.broadcast %add3A_534 : vector<128x1xi32> to vector<128x1024xi32>
    %lt3A_543 = arith.cmpi slt, %lt3A_541, %lt3A_542 : vector<128x1024xi32>
    %and3A_544 = arith.andi %eq3A_540, %lt3A_543 : vector<128x1024xi1>
    %or3A_545 = arith.ori %gt3A_537, %and3A_544 : vector<128x1024xi1>
    %jit3A_546 = arith.constant 1.000000e+00 : f32
    %jit3A_547 = arith.constant 0.000000e+00 : f32
    %broadcast_in_dim3A_548 = vector.broadcast %jit3A_546 : f32 to vector<128x1024xf32>
    %broadcast_in_dim3A_549 = vector.broadcast %jit3A_547 : f32 to vector<128x1024xf32>
    %select_n3A_550 = arith.select %or3A_545, %broadcast_in_dim3A_548, %broadcast_in_dim3A_549 : vector<128x1024xi1>, vector<128x1024xf32>
    %slice3A_551 = vector.extract_strided_slice %select_n3A_550 {offsets = [0, 0], sizes = [128, 512], strides = [1, 1]} : vector<128x1024xf32> to vector<128x512xf32>
    %slice3A_552 = vector.extract_strided_slice %select_n3A_550 {offsets = [0, 512], sizes = [128, 512], strides = [1, 1]} : vector<128x1024xf32> to vector<128x512xf32>
    %add3A_553 = arith.addf %slice3A_551, %slice3A_552 : vector<128x512xf32>
    %slice3A_554 = vector.extract_strided_slice %add3A_553 {offsets = [0, 0], sizes = [128, 256], strides = [1, 1]} : vector<128x512xf32> to vector<128x256xf32>
    %slice3A_555 = vector.extract_strided_slice %add3A_553 {offsets = [0, 256], sizes = [128, 256], strides = [1, 1]} : vector<128x512xf32> to vector<128x256xf32>
    %add3A_556 = arith.addf %slice3A_554, %slice3A_555 : vector<128x256xf32>
    %slice3A_557 = vector.extract_strided_slice %add3A_556 {offsets = [0, 0], sizes = [128, 128], strides = [1, 1]} : vector<128x256xf32> to vector<128x128xf32>
    %slice3A_558 = vector.extract_strided_slice %add3A_556 {offsets = [0, 128], sizes = [128, 128], strides = [1, 1]} : vector<128x256xf32> to vector<128x128xf32>
    %add3A_559 = arith.addf %slice3A_557, %slice3A_558 : vector<128x128xf32>
    %reduce_sum3A_560 = arith.constant dense<0.000000e+00> : vector<128xf32>
    %reduce_sum3A_561 = vector.multi_reduction <add>, %add3A_559, %reduce_sum3A_560 [1] : vector<128x128xf32> to vector<128xf32>
    %broadcast_in_dim3A_562 = vector.shape_cast %reduce_sum3A_561 : vector<128xf32> to vector<128x1xf32>
    %concatenate3A_563 = tpu.concatenate %broadcast_in_dim3A_331, %broadcast_in_dim3A_364, %broadcast_in_dim3A_397, %broadcast_in_dim3A_430, %broadcast_in_dim3A_463, %broadcast_in_dim3A_496, %broadcast_in_dim3A_529, %broadcast_in_dim3A_562 in 0 : vector<128x1xf32>, vector<128x1xf32>, vector<128x1xf32>, vector<128x1xf32>, vector<128x1xf32>, vector<128x1xf32>, vector<128x1xf32>, vector<128x1xf32> -> vector<1024x1xf32>
    %reshape3A_564 = vector.shape_cast %concatenate3A_563 : vector<1024x1xf32> to vector<1x1024xf32>
    %iota3A_565 = tpu.iota {dimensions = array<i32: 0>} : vector<72x1xi32>
    %convert_element_type3A = arith.sitofp %iota3A_565 : vector<72x1xi32> to vector<72x1xf32>
    %eq3A_566 = vector.broadcast %reshape3A_564 : vector<1x1024xf32> to vector<72x1024xf32>
    %eq3A_567 = vector.broadcast %convert_element_type3A : vector<72x1xf32> to vector<72x1024xf32>
    %eq3A_568 = arith.cmpf oeq, %eq3A_566, %eq3A_567 : vector<72x1024xf32>
    %lt3A_569 = arith.constant 6.900000e+01 : f32
    %lt3A_570 = vector.broadcast %lt3A_569 : f32 to vector<72x1xf32>
    %lt3A_571 = arith.cmpf olt, %convert_element_type3A, %lt3A_570 : vector<72x1xf32>
    %and3A_572 = vector.broadcast %lt3A_571 : vector<72x1xi1> to vector<72x1024xi1>
    %and3A_573 = arith.andi %eq3A_568, %and3A_572 : vector<72x1024xi1>
    %jit3A_574 = arith.constant 1.000000e+00 : f32
    %jit3A_575 = arith.constant 0.000000e+00 : f32
    %broadcast_in_dim3A_576 = vector.broadcast %jit3A_574 : f32 to vector<72x1024xf32>
    %broadcast_in_dim3A_577 = vector.broadcast %jit3A_575 : f32 to vector<72x1024xf32>
    %select_n3A_578 = arith.select %and3A_573, %broadcast_in_dim3A_576, %broadcast_in_dim3A_577 : vector<72x1024xi1>, vector<72x1024xf32>
    %get3A_579 = arith.constant 0 : index
    %get3A_580 = arith.constant 0 : index
    %get3A_581 = arith.constant 0 : index
    %get3A_582 = vector.load %arg1[%get3A_579, %get3A_580, %get3A_581] : memref<1x1024x512xf32, #tpu.memory_space<vmem>>, vector<1x1024x512xf32>
    %get3A_583 = vector.shape_cast %get3A_582 : vector<1x1024x512xf32> to vector<1024x512xf32>
    %dot_general3A_584 = arith.constant dense<0.000000e+00> : vector<72x512xf32>
    %dot_general3A_585 = tpu.matmul %select_n3A_578, %get3A_583, %dot_general3A_584 {dimension_numbers = #tpu.dot_dimension_numbers<[1], [0], [0], [1], [0, 0, 1, 1], [], []>, transpose_lhs_hint = false} : vector<72x1024xf32>, vector<1024x512xf32>, vector<72x512xf32> -> vector<72x512xf32>
    %dot_general3A_586 = arith.constant dense<0.000000e+00> : vector<72x1024xf32>
    %dot_general3A_587 = tpu.matmul %dot_general3A_585, %get3A_3, %dot_general3A_586 {dimension_numbers = #tpu.dot_dimension_numbers<[1], [1], [0], [0], [0, 0, 1, 0], [], []>, transpose_lhs_hint = false} : vector<72x512xf32>, vector<1024x512xf32>, vector<72x1024xf32> -> vector<72x1024xf32>
    %mul3A_588 = arith.constant 0.0441941731 : f32
    %mul3A_589 = vector.broadcast %mul3A_588 : f32 to vector<72x1024xf32>
    %mul3A_590 = arith.mulf %dot_general3A_587, %mul3A_589 : vector<72x1024xf32>
    %reduce_max3A_591 = arith.constant dense<0xFF800000> : vector<72xf32>
    %reduce_max3A_592 = vector.multi_reduction <maximumf>, %mul3A_590, %reduce_max3A_591 [1] : vector<72x1024xf32> to vector<72xf32>
    %broadcast_in_dim3A_593 = vector.shape_cast %reduce_max3A_592 : vector<72xf32> to vector<72x1xf32>
    %sub3A_594 = vector.broadcast %broadcast_in_dim3A_593 : vector<72x1xf32> to vector<72x1024xf32>
    %sub3A_595 = arith.subf %mul3A_590, %sub3A_594 : vector<72x1024xf32>
    %exp3A = math.exp %sub3A_595 : vector<72x1024xf32>
    %reduce_sum3A_596 = arith.constant dense<0.000000e+00> : vector<72xf32>
    %reduce_sum3A_597 = vector.multi_reduction <add>, %exp3A, %reduce_sum3A_596 [1] : vector<72x1024xf32> to vector<72xf32>
    %broadcast_in_dim3A_598 = vector.shape_cast %reduce_sum3A_597 : vector<72xf32> to vector<72x1xf32>
    %div3A = vector.broadcast %broadcast_in_dim3A_598 : vector<72x1xf32> to vector<72x1024xf32>
    %div3A_599 = arith.divf %exp3A, %div3A : vector<72x1024xf32>
    %get3A_600 = arith.constant 0 : index
    %get3A_601 = arith.constant 0 : index
    %get3A_602 = arith.constant 0 : index
    %get3A_603 = vector.load %arg3[%get3A_600, %get3A_601, %get3A_602] : memref<1x1024x512xf32, #tpu.memory_space<vmem>>, vector<1x1024x512xf32>
    %get3A_604 = vector.shape_cast %get3A_603 : vector<1x1024x512xf32> to vector<1024x512xf32>
    %dot_general3A_605 = arith.constant dense<0.000000e+00> : vector<72x512xf32>
    %dot_general3A_606 = tpu.matmul %div3A_599, %get3A_604, %dot_general3A_605 {dimension_numbers = #tpu.dot_dimension_numbers<[1], [0], [0], [1], [0, 0, 1, 1], [], []>, transpose_lhs_hint = false} : vector<72x1024xf32>, vector<1024x512xf32>, vector<72x512xf32> -> vector<72x512xf32>
    %slice3A_607 = vector.extract_strided_slice %select_n3A_578 {offsets = [0, 0], sizes = [72, 128], strides = [1, 1]} : vector<72x1024xf32> to vector<72x128xf32>
    %dot_general3A_608 = arith.constant dense<0.000000e+00> : vector<128x512xf32>
    %dot_general3A_609 = tpu.matmul %slice3A_607, %dot_general3A_606, %dot_general3A_608 {dimension_numbers = #tpu.dot_dimension_numbers<[0], [0], [1], [1], [0, 1, 1, 1], [], []>, precision = #tpu.contract_precision<fp32>, transpose_lhs_hint = false} : vector<72x128xf32>, vector<72x512xf32>, vector<128x512xf32> -> vector<128x512xf32>
    %lt3A_610 = arith.constant 6.900000e+01 : f32
    %lt3A_611 = vector.broadcast %lt3A_610 : f32 to vector<128x1xf32>
    %lt3A_612 = arith.cmpf olt, %broadcast_in_dim3A_331, %lt3A_611 : vector<128x1xf32>
    %get3A_613 = arith.constant 0 : index
    %get3A_614 = arith.constant 0 : index
    %get3A_615 = arith.constant 0 : index
    %get3A_616 = vector.load %arg3[%get3A_613, %get3A_614, %get3A_615] : memref<1x1024x512xf32, #tpu.memory_space<vmem>>, vector<1x128x512xf32>
    %get3A_617 = vector.shape_cast %get3A_616 : vector<1x128x512xf32> to vector<128x512xf32>
    %reduce_sum3A_618 = arith.constant dense<0.000000e+00> : vector<128xf32>
    %reduce_sum3A_619 = vector.multi_reduction <add>, %get3A_617, %reduce_sum3A_618 [1] : vector<128x512xf32> to vector<128xf32>
    %broadcast_in_dim3A_620 = vector.shape_cast %reduce_sum3A_619 : vector<128xf32> to vector<128x1xf32>
    %mul3A_621 = arith.constant 0.001953125 : f32
    %mul3A_622 = vector.broadcast %mul3A_621 : f32 to vector<128x1xf32>
    %mul3A_623 = arith.mulf %broadcast_in_dim3A_620, %mul3A_622 : vector<128x1xf32>
    %broadcast_in_dim3A_624 = vector.shape_cast %lt3A_612 : vector<128x1xi1> to vector<128x1xi1>
    %broadcast_in_dim3A_625 = vector.broadcast %broadcast_in_dim3A_624 : vector<128x1xi1> to vector<128x512xi1>
    %broadcast_in_dim3A_626 = vector.shape_cast %mul3A_623 : vector<128x1xf32> to vector<128x1xf32>
    %broadcast_in_dim3A_627 = vector.broadcast %broadcast_in_dim3A_626 : vector<128x1xf32> to vector<128x512xf32>
    %select_n3A_628 = arith.select %broadcast_in_dim3A_625, %dot_general3A_609, %broadcast_in_dim3A_627 : vector<128x512xi1>, vector<128x512xf32>
    %swap3A = arith.constant 0 : index
    %swap3A_629 = arith.constant 0 : index
    %swap3A_630 = arith.constant 0 : index
    %swap3A_631 = vector.load %arg5[%swap3A, %swap3A_629, %swap3A_630] : memref<1x1024x512xf32, #tpu.memory_space<vmem>>, vector<1x128x512xf32>
    %swap3A_632 = vector.shape_cast %swap3A_631 : vector<1x128x512xf32> to vector<128x512xf32>
    %swap3A_633 = vector.shape_cast %select_n3A_628 : vector<128x512xf32> to vector<1x128x512xf32>
    tpu.vector_store %arg5[%swap3A, %swap3A_629, %swap3A_630], %swap3A_633 {strides = array<i32>} : memref<1x1024x512xf32, #tpu.memory_space<vmem>>, vector<1x128x512xf32>,
    %slice3A_634 = vector.extract_strided_slice %select_n3A_578 {offsets = [0, 128], sizes = [72, 128], strides = [1, 1]} : vector<72x1024xf32> to vector<72x128xf32>
    %dot_general3A_635 = arith.constant dense<0.000000e+00> : vector<128x512xf32>
    %dot_general3A_636 = tpu.matmul %slice3A_634, %dot_general3A_606, %dot_general3A_635 {dimension_numbers = #tpu.dot_dimension_numbers<[0], [0], [1], [1], [0, 1, 1, 1], [], []>, precision = #tpu.contract_precision<fp32>, transpose_lhs_hint = false} : vector<72x128xf32>, vector<72x512xf32>, vector<128x512xf32> -> vector<128x512xf32>
    %lt3A_637 = arith.constant 6.900000e+01 : f32
    %lt3A_638 = vector.broadcast %lt3A_637 : f32 to vector<128x1xf32>
    %lt3A_639 = arith.cmpf olt, %broadcast_in_dim3A_364, %lt3A_638 : vector<128x1xf32>
    %get3A_640 = arith.constant 0 : index
    %get3A_641 = arith.constant 128 : index
    %get3A_642 = arith.constant 0 : index
    %get3A_643 = vector.load %arg3[%get3A_640, %get3A_641, %get3A_642] : memref<1x1024x512xf32, #tpu.memory_space<vmem>>, vector<1x128x512xf32>
    %get3A_644 = vector.shape_cast %get3A_643 : vector<1x128x512xf32> to vector<128x512xf32>
    %reduce_sum3A_645 = arith.constant dense<0.000000e+00> : vector<128xf32>
    %reduce_sum3A_646 = vector.multi_reduction <add>, %get3A_644, %reduce_sum3A_645 [1] : vector<128x512xf32> to vector<128xf32>
    %broadcast_in_dim3A_647 = vector.shape_cast %reduce_sum3A_646 : vector<128xf32> to vector<128x1xf32>
    %mul3A_648 = arith.constant 0.001953125 : f32
    %mul3A_649 = vector.broadcast %mul3A_648 : f32 to vector<128x1xf32>
    %mul3A_650 = arith.mulf %broadcast_in_dim3A_647, %mul3A_649 : vector<128x1xf32>
    %broadcast_in_dim3A_651 = vector.shape_cast %lt3A_639 : vector<128x1xi1> to vector<128x1xi1>
    %broadcast_in_dim3A_652 = vector.broadcast %broadcast_in_dim3A_651 : vector<128x1xi1> to vector<128x512xi1>
    %broadcast_in_dim3A_653 = vector.shape_cast %mul3A_650 : vector<128x1xf32> to vector<128x1xf32>
    %broadcast_in_dim3A_654 = vector.broadcast %broadcast_in_dim3A_653 : vector<128x1xf32> to vector<128x512xf32>
    %select_n3A_655 = arith.select %broadcast_in_dim3A_652, %dot_general3A_636, %broadcast_in_dim3A_654 : vector<128x512xi1>, vector<128x512xf32>
    %swap3A_656 = arith.constant 0 : index
    %swap3A_657 = arith.constant 128 : index
    %swap3A_658 = arith.constant 0 : index
    %swap3A_659 = vector.load %arg5[%swap3A_656, %swap3A_657, %swap3A_658] : memref<1x1024x512xf32, #tpu.memory_space<vmem>>, vector<1x128x512xf32>
    %swap3A_660 = vector.shape_cast %swap3A_659 : vector<1x128x512xf32> to vector<128x512xf32>
    %swap3A_661 = vector.shape_cast %select_n3A_655 : vector<128x512xf32> to vector<1x128x512xf32>
    tpu.vector_store %arg5[%swap3A_656, %swap3A_657, %swap3A_658], %swap3A_661 {strides = array<i32>} : memref<1x1024x512xf32, #tpu.memory_space<vmem>>, vector<1x128x512xf32>,
    %slice3A_662 = vector.extract_strided_slice %select_n3A_578 {offsets = [0, 256], sizes = [72, 128], strides = [1, 1]} : vector<72x1024xf32> to vector<72x128xf32>
    %dot_general3A_663 = arith.constant dense<0.000000e+00> : vector<128x512xf32>
    %dot_general3A_664 = tpu.matmul %slice3A_662, %dot_general3A_606, %dot_general3A_663 {dimension_numbers = #tpu.dot_dimension_numbers<[0], [0], [1], [1], [0, 1, 1, 1], [], []>, precision = #tpu.contract_precision<fp32>, transpose_lhs_hint = false} : vector<72x128xf32>, vector<72x512xf32>, vector<128x512xf32> -> vector<128x512xf32>
    %lt3A_665 = arith.constant 6.900000e+01 : f32
    %lt3A_666 = vector.broadcast %lt3A_665 : f32 to vector<128x1xf32>
    %lt3A_667 = arith.cmpf olt, %broadcast_in_dim3A_397, %lt3A_666 : vector<128x1xf32>
    %get3A_668 = arith.constant 0 : index
    %get3A_669 = arith.constant 256 : index
    %get3A_670 = arith.constant 0 : index
    %get3A_671 = vector.load %arg3[%get3A_668, %get3A_669, %get3A_670] : memref<1x1024x512xf32, #tpu.memory_space<vmem>>, vector<1x128x512xf32>
    %get3A_672 = vector.shape_cast %get3A_671 : vector<1x128x512xf32> to vector<128x512xf32>
    %reduce_sum3A_673 = arith.constant dense<0.000000e+00> : vector<128xf32>
    %reduce_sum3A_674 = vector.multi_reduction <add>, %get3A_672, %reduce_sum3A_673 [1] : vector<128x512xf32> to vector<128xf32>
    %broadcast_in_dim3A_675 = vector.shape_cast %reduce_sum3A_674 : vector<128xf32> to vector<128x1xf32>
    %mul3A_676 = arith.constant 0.001953125 : f32
    %mul3A_677 = vector.broadcast %mul3A_676 : f32 to vector<128x1xf32>
    %mul3A_678 = arith.mulf %broadcast_in_dim3A_675, %mul3A_677 : vector<128x1xf32>
    %broadcast_in_dim3A_679 = vector.shape_cast %lt3A_667 : vector<128x1xi1> to vector<128x1xi1>
    %broadcast_in_dim3A_680 = vector.broadcast %broadcast_in_dim3A_679 : vector<128x1xi1> to vector<128x512xi1>
    %broadcast_in_dim3A_681 = vector.shape_cast %mul3A_678 : vector<128x1xf32> to vector<128x1xf32>
    %broadcast_in_dim3A_682 = vector.broadcast %broadcast_in_dim3A_681 : vector<128x1xf32> to vector<128x512xf32>
    %select_n3A_683 = arith.select %broadcast_in_dim3A_680, %dot_general3A_664, %broadcast_in_dim3A_682 : vector<128x512xi1>, vector<128x512xf32>
    %swap3A_684 = arith.constant 0 : index
    %swap3A_685 = arith.constant 256 : index
    %swap3A_686 = arith.constant 0 : index
    %swap3A_687 = vector.load %arg5[%swap3A_684, %swap3A_685, %swap3A_686] : memref<1x1024x512xf32, #tpu.memory_space<vmem>>, vector<1x128x512xf32>
    %swap3A_688 = vector.shape_cast %swap3A_687 : vector<1x128x512xf32> to vector<128x512xf32>
    %swap3A_689 = vector.shape_cast %select_n3A_683 : vector<128x512xf32> to vector<1x128x512xf32>
    tpu.vector_store %arg5[%swap3A_684, %swap3A_685, %swap3A_686], %swap3A_689 {strides = array<i32>} : memref<1x1024x512xf32, #tpu.memory_space<vmem>>, vector<1x128x512xf32>,
    %slice3A_690 = vector.extract_strided_slice %select_n3A_578 {offsets = [0, 384], sizes = [72, 128], strides = [1, 1]} : vector<72x1024xf32> to vector<72x128xf32>
    %dot_general3A_691 = arith.constant dense<0.000000e+00> : vector<128x512xf32>
    %dot_general3A_692 = tpu.matmul %slice3A_690, %dot_general3A_606, %dot_general3A_691 {dimension_numbers = #tpu.dot_dimension_numbers<[0], [0], [1], [1], [0, 1, 1, 1], [], []>, precision = #tpu.contract_precision<fp32>, transpose_lhs_hint = false} : vector<72x128xf32>, vector<72x512xf32>, vector<128x512xf32> -> vector<128x512xf32>
    %lt3A_693 = arith.constant 6.900000e+01 : f32
    %lt3A_694 = vector.broadcast %lt3A_693 : f32 to vector<128x1xf32>
    %lt3A_695 = arith.cmpf olt, %broadcast_in_dim3A_430, %lt3A_694 : vector<128x1xf32>
    %get3A_696 = arith.constant 0 : index
    %get3A_697 = arith.constant 384 : index
    %get3A_698 = arith.constant 0 : index
    %get3A_699 = vector.load %arg3[%get3A_696, %get3A_697, %get3A_698] : memref<1x1024x512xf32, #tpu.memory_space<vmem>>, vector<1x128x512xf32>
    %get3A_700 = vector.shape_cast %get3A_699 : vector<1x128x512xf32> to vector<128x512xf32>
    %reduce_sum3A_701 = arith.constant dense<0.000000e+00> : vector<128xf32>
    %reduce_sum3A_702 = vector.multi_reduction <add>, %get3A_700, %reduce_sum3A_701 [1] : vector<128x512xf32> to vector<128xf32>
    %broadcast_in_dim3A_703 = vector.shape_cast %reduce_sum3A_702 : vector<128xf32> to vector<128x1xf32>
    %mul3A_704 = arith.constant 0.001953125 : f32
    %mul3A_705 = vector.broadcast %mul3A_704 : f32 to vector<128x1xf32>
    %mul3A_706 = arith.mulf %broadcast_in_dim3A_703, %mul3A_705 : vector<128x1xf32>
    %broadcast_in_dim3A_707 = vector.shape_cast %lt3A_695 : vector<128x1xi1> to vector<128x1xi1>
    %broadcast_in_dim3A_708 = vector.broadcast %broadcast_in_dim3A_707 : vector<128x1xi1> to vector<128x512xi1>
    %broadcast_in_dim3A_709 = vector.shape_cast %mul3A_706 : vector<128x1xf32> to vector<128x1xf32>
    %broadcast_in_dim3A_710 = vector.broadcast %broadcast_in_dim3A_709 : vector<128x1xf32> to vector<128x512xf32>
    %select_n3A_711 = arith.select %broadcast_in_dim3A_708, %dot_general3A_692, %broadcast_in_dim3A_710 : vector<128x512xi1>, vector<128x512xf32>
    %swap3A_712 = arith.constant 0 : index
    %swap3A_713 = arith.constant 384 : index
    %swap3A_714 = arith.constant 0 : index
    %swap3A_715 = vector.load %arg5[%swap3A_712, %swap3A_713, %swap3A_714] : memref<1x1024x512xf32, #tpu.memory_space<vmem>>, vector<1x128x512xf32>
    %swap3A_716 = vector.shape_cast %swap3A_715 : vector<1x128x512xf32> to vector<128x512xf32>
    %swap3A_717 = vector.shape_cast %select_n3A_711 : vector<128x512xf32> to vector<1x128x512xf32>
    tpu.vector_store %arg5[%swap3A_712, %swap3A_713, %swap3A_714], %swap3A_717 {strides = array<i32>} : memref<1x1024x512xf32, #tpu.memory_space<vmem>>, vector<1x128x512xf32>,
    %slice3A_718 = vector.extract_strided_slice %select_n3A_578 {offsets = [0, 512], sizes = [72, 128], strides = [1, 1]} : vector<72x1024xf32> to vector<72x128xf32>
    %dot_general3A_719 = arith.constant dense<0.000000e+00> : vector<128x512xf32>
    %dot_general3A_720 = tpu.matmul %slice3A_718, %dot_general3A_606, %dot_general3A_719 {dimension_numbers = #tpu.dot_dimension_numbers<[0], [0], [1], [1], [0, 1, 1, 1], [], []>, precision = #tpu.contract_precision<fp32>, transpose_lhs_hint = false} : vector<72x128xf32>, vector<72x512xf32>, vector<128x512xf32> -> vector<128x512xf32>
    %lt3A_721 = arith.constant 6.900000e+01 : f32
    %lt3A_722 = vector.broadcast %lt3A_721 : f32 to vector<128x1xf32>
    %lt3A_723 = arith.cmpf olt, %broadcast_in_dim3A_463, %lt3A_722 : vector<128x1xf32>
    %get3A_724 = arith.constant 0 : index
    %get3A_725 = arith.constant 512 : index
    %get3A_726 = arith.constant 0 : index
    %get3A_727 = vector.load %arg3[%get3A_724, %get3A_725, %get3A_726] : memref<1x1024x512xf32, #tpu.memory_space<vmem>>, vector<1x128x512xf32>
    %get3A_728 = vector.shape_cast %get3A_727 : vector<1x128x512xf32> to vector<128x512xf32>
    %reduce_sum3A_729 = arith.constant dense<0.000000e+00> : vector<128xf32>
    %reduce_sum3A_730 = vector.multi_reduction <add>, %get3A_728, %reduce_sum3A_729 [1] : vector<128x512xf32> to vector<128xf32>
    %broadcast_in_dim3A_731 = vector.shape_cast %reduce_sum3A_730 : vector<128xf32> to vector<128x1xf32>
    %mul3A_732 = arith.constant 0.001953125 : f32
    %mul3A_733 = vector.broadcast %mul3A_732 : f32 to vector<128x1xf32>
    %mul3A_734 = arith.mulf %broadcast_in_dim3A_731, %mul3A_733 : vector<128x1xf32>
    %broadcast_in_dim3A_735 = vector.shape_cast %lt3A_723 : vector<128x1xi1> to vector<128x1xi1>
    %broadcast_in_dim3A_736 = vector.broadcast %broadcast_in_dim3A_735 : vector<128x1xi1> to vector<128x512xi1>
    %broadcast_in_dim3A_737 = vector.shape_cast %mul3A_734 : vector<128x1xf32> to vector<128x1xf32>
    %broadcast_in_dim3A_738 = vector.broadcast %broadcast_in_dim3A_737 : vector<128x1xf32> to vector<128x512xf32>
    %select_n3A_739 = arith.select %broadcast_in_dim3A_736, %dot_general3A_720, %broadcast_in_dim3A_738 : vector<128x512xi1>, vector<128x512xf32>
    %swap3A_740 = arith.constant 0 : index
    %swap3A_741 = arith.constant 512 : index
    %swap3A_742 = arith.constant 0 : index
    %swap3A_743 = vector.load %arg5[%swap3A_740, %swap3A_741, %swap3A_742] : memref<1x1024x512xf32, #tpu.memory_space<vmem>>, vector<1x128x512xf32>
    %swap3A_744 = vector.shape_cast %swap3A_743 : vector<1x128x512xf32> to vector<128x512xf32>
    %swap3A_745 = vector.shape_cast %select_n3A_739 : vector<128x512xf32> to vector<1x128x512xf32>
    tpu.vector_store %arg5[%swap3A_740, %swap3A_741, %swap3A_742], %swap3A_745 {strides = array<i32>} : memref<1x1024x512xf32, #tpu.memory_space<vmem>>, vector<1x128x512xf32>,
    %slice3A_746 = vector.extract_strided_slice %select_n3A_578 {offsets = [0, 640], sizes = [72, 128], strides = [1, 1]} : vector<72x1024xf32> to vector<72x128xf32>
    %dot_general3A_747 = arith.constant dense<0.000000e+00> : vector<128x512xf32>
    %dot_general3A_748 = tpu.matmul %slice3A_746, %dot_general3A_606, %dot_general3A_747 {dimension_numbers = #tpu.dot_dimension_numbers<[0], [0], [1], [1], [0, 1, 1, 1], [], []>, precision = #tpu.contract_precision<fp32>, transpose_lhs_hint = false} : vector<72x128xf32>, vector<72x512xf32>, vector<128x512xf32> -> vector<128x512xf32>
    %lt3A_749 = arith.constant 6.900000e+01 : f32
    %lt3A_750 = vector.broadcast %lt3A_749 : f32 to vector<128x1xf32>
    %lt3A_751 = arith.cmpf olt, %broadcast_in_dim3A_496, %lt3A_750 : vector<128x1xf32>
    %get3A_752 = arith.constant 0 : index
    %get3A_753 = arith.constant 640 : index
    %get3A_754 = arith.constant 0 : index
    %get3A_755 = vector.load %arg3[%get3A_752, %get3A_753, %get3A_754] : memref<1x1024x512xf32, #tpu.memory_space<vmem>>, vector<1x128x512xf32>
    %get3A_756 = vector.shape_cast %get3A_755 : vector<1x128x512xf32> to vector<128x512xf32>
    %reduce_sum3A_757 = arith.constant dense<0.000000e+00> : vector<128xf32>
    %reduce_sum3A_758 = vector.multi_reduction <add>, %get3A_756, %reduce_sum3A_757 [1] : vector<128x512xf32> to vector<128xf32>
    %broadcast_in_dim3A_759 = vector.shape_cast %reduce_sum3A_758 : vector<128xf32> to vector<128x1xf32>
    %mul3A_760 = arith.constant 0.001953125 : f32
    %mul3A_761 = vector.broadcast %mul3A_760 : f32 to vector<128x1xf32>
    %mul3A_762 = arith.mulf %broadcast_in_dim3A_759, %mul3A_761 : vector<128x1xf32>
    %broadcast_in_dim3A_763 = vector.shape_cast %lt3A_751 : vector<128x1xi1> to vector<128x1xi1>
    %broadcast_in_dim3A_764 = vector.broadcast %broadcast_in_dim3A_763 : vector<128x1xi1> to vector<128x512xi1>
    %broadcast_in_dim3A_765 = vector.shape_cast %mul3A_762 : vector<128x1xf32> to vector<128x1xf32>
    %broadcast_in_dim3A_766 = vector.broadcast %broadcast_in_dim3A_765 : vector<128x1xf32> to vector<128x512xf32>
    %select_n3A_767 = arith.select %broadcast_in_dim3A_764, %dot_general3A_748, %broadcast_in_dim3A_766 : vector<128x512xi1>, vector<128x512xf32>
    %swap3A_768 = arith.constant 0 : index
    %swap3A_769 = arith.constant 640 : index
    %swap3A_770 = arith.constant 0 : index
    %swap3A_771 = vector.load %arg5[%swap3A_768, %swap3A_769, %swap3A_770] : memref<1x1024x512xf32, #tpu.memory_space<vmem>>, vector<1x128x512xf32>
    %swap3A_772 = vector.shape_cast %swap3A_771 : vector<1x128x512xf32> to vector<128x512xf32>
    %swap3A_773 = vector.shape_cast %select_n3A_767 : vector<128x512xf32> to vector<1x128x512xf32>
    tpu.vector_store %arg5[%swap3A_768, %swap3A_769, %swap3A_770], %swap3A_773 {strides = array<i32>} : memref<1x1024x512xf32, #tpu.memory_space<vmem>>, vector<1x128x512xf32>,
    %slice3A_774 = vector.extract_strided_slice %select_n3A_578 {offsets = [0, 768], sizes = [72, 128], strides = [1, 1]} : vector<72x1024xf32> to vector<72x128xf32>
    %dot_general3A_775 = arith.constant dense<0.000000e+00> : vector<128x512xf32>
    %dot_general3A_776 = tpu.matmul %slice3A_774, %dot_general3A_606, %dot_general3A_775 {dimension_numbers = #tpu.dot_dimension_numbers<[0], [0], [1], [1], [0, 1, 1, 1], [], []>, precision = #tpu.contract_precision<fp32>, transpose_lhs_hint = false} : vector<72x128xf32>, vector<72x512xf32>, vector<128x512xf32> -> vector<128x512xf32>
    %lt3A_777 = arith.constant 6.900000e+01 : f32
    %lt3A_778 = vector.broadcast %lt3A_777 : f32 to vector<128x1xf32>
    %lt3A_779 = arith.cmpf olt, %broadcast_in_dim3A_529, %lt3A_778 : vector<128x1xf32>
    %get3A_780 = arith.constant 0 : index
    %get3A_781 = arith.constant 768 : index
    %get3A_782 = arith.constant 0 : index
    %get3A_783 = vector.load %arg3[%get3A_780, %get3A_781, %get3A_782] : memref<1x1024x512xf32, #tpu.memory_space<vmem>>, vector<1x128x512xf32>
    %get3A_784 = vector.shape_cast %get3A_783 : vector<1x128x512xf32> to vector<128x512xf32>
    %reduce_sum3A_785 = arith.constant dense<0.000000e+00> : vector<128xf32>
    %reduce_sum3A_786 = vector.multi_reduction <add>, %get3A_784, %reduce_sum3A_785 [1] : vector<128x512xf32> to vector<128xf32>
    %broadcast_in_dim3A_787 = vector.shape_cast %reduce_sum3A_786 : vector<128xf32> to vector<128x1xf32>
    %mul3A_788 = arith.constant 0.001953125 : f32
    %mul3A_789 = vector.broadcast %mul3A_788 : f32 to vector<128x1xf32>
    %mul3A_790 = arith.mulf %broadcast_in_dim3A_787, %mul3A_789 : vector<128x1xf32>
    %broadcast_in_dim3A_791 = vector.shape_cast %lt3A_779 : vector<128x1xi1> to vector<128x1xi1>
    %broadcast_in_dim3A_792 = vector.broadcast %broadcast_in_dim3A_791 : vector<128x1xi1> to vector<128x512xi1>
    %broadcast_in_dim3A_793 = vector.shape_cast %mul3A_790 : vector<128x1xf32> to vector<128x1xf32>
    %broadcast_in_dim3A_794 = vector.broadcast %broadcast_in_dim3A_793 : vector<128x1xf32> to vector<128x512xf32>
    %select_n3A_795 = arith.select %broadcast_in_dim3A_792, %dot_general3A_776, %broadcast_in_dim3A_794 : vector<128x512xi1>, vector<128x512xf32>
    %swap3A_796 = arith.constant 0 : index
    %swap3A_797 = arith.constant 768 : index
    %swap3A_798 = arith.constant 0 : index
    %swap3A_799 = vector.load %arg5[%swap3A_796, %swap3A_797, %swap3A_798] : memref<1x1024x512xf32, #tpu.memory_space<vmem>>, vector<1x128x512xf32>
    %swap3A_800 = vector.shape_cast %swap3A_799 : vector<1x128x512xf32> to vector<128x512xf32>
    %swap3A_801 = vector.shape_cast %select_n3A_795 : vector<128x512xf32> to vector<1x128x512xf32>
    tpu.vector_store %arg5[%swap3A_796, %swap3A_797, %swap3A_798], %swap3A_801 {strides = array<i32>} : memref<1x1024x512xf32, #tpu.memory_space<vmem>>, vector<1x128x512xf32>,
    %slice3A_802 = vector.extract_strided_slice %select_n3A_578 {offsets = [0, 896], sizes = [72, 128], strides = [1, 1]} : vector<72x1024xf32> to vector<72x128xf32>
    %dot_general3A_803 = arith.constant dense<0.000000e+00> : vector<128x512xf32>
    %dot_general3A_804 = tpu.matmul %slice3A_802, %dot_general3A_606, %dot_general3A_803 {dimension_numbers = #tpu.dot_dimension_numbers<[0], [0], [1], [1], [0, 1, 1, 1], [], []>, precision = #tpu.contract_precision<fp32>, transpose_lhs_hint = false} : vector<72x128xf32>, vector<72x512xf32>, vector<128x512xf32> -> vector<128x512xf32>
    %lt3A_805 = arith.constant 6.900000e+01 : f32
    %lt3A_806 = vector.broadcast %lt3A_805 : f32 to vector<128x1xf32>
    %lt3A_807 = arith.cmpf olt, %broadcast_in_dim3A_562, %lt3A_806 : vector<128x1xf32>
    %get3A_808 = arith.constant 0 : index
    %get3A_809 = arith.constant 896 : index
    %get3A_810 = arith.constant 0 : index
    %get3A_811 = vector.load %arg3[%get3A_808, %get3A_809, %get3A_810] : memref<1x1024x512xf32, #tpu.memory_space<vmem>>, vector<1x128x512xf32>
    %get3A_812 = vector.shape_cast %get3A_811 : vector<1x128x512xf32> to vector<128x512xf32>
    %reduce_sum3A_813 = arith.constant dense<0.000000e+00> : vector<128xf32>
    %reduce_sum3A_814 = vector.multi_reduction <add>, %get3A_812, %reduce_sum3A_813 [1] : vector<128x512xf32> to vector<128xf32>
    %broadcast_in_dim3A_815 = vector.shape_cast %reduce_sum3A_814 : vector<128xf32> to vector<128x1xf32>
    %mul3A_816 = arith.constant 0.001953125 : f32
    %mul3A_817 = vector.broadcast %mul3A_816 : f32 to vector<128x1xf32>
    %mul3A_818 = arith.mulf %broadcast_in_dim3A_815, %mul3A_817 : vector<128x1xf32>
    %broadcast_in_dim3A_819 = vector.shape_cast %lt3A_807 : vector<128x1xi1> to vector<128x1xi1>
    %broadcast_in_dim3A_820 = vector.broadcast %broadcast_in_dim3A_819 : vector<128x1xi1> to vector<128x512xi1>
    %broadcast_in_dim3A_821 = vector.shape_cast %mul3A_818 : vector<128x1xf32> to vector<128x1xf32>
    %broadcast_in_dim3A_822 = vector.broadcast %broadcast_in_dim3A_821 : vector<128x1xf32> to vector<128x512xf32>
    %select_n3A_823 = arith.select %broadcast_in_dim3A_820, %dot_general3A_804, %broadcast_in_dim3A_822 : vector<128x512xi1>, vector<128x512xf32>
    %swap3A_824 = arith.constant 0 : index
    %swap3A_825 = arith.constant 896 : index
    %swap3A_826 = arith.constant 0 : index
    %swap3A_827 = vector.load %arg5[%swap3A_824, %swap3A_825, %swap3A_826] : memref<1x1024x512xf32, #tpu.memory_space<vmem>>, vector<1x128x512xf32>
    %swap3A_828 = vector.shape_cast %swap3A_827 : vector<1x128x512xf32> to vector<128x512xf32>
    %swap3A_829 = vector.shape_cast %select_n3A_823 : vector<128x512xf32> to vector<1x128x512xf32>
    tpu.vector_store %arg5[%swap3A_824, %swap3A_825, %swap3A_826], %swap3A_829 {strides = array<i32>} : memref<1x1024x512xf32, #tpu.memory_space<vmem>>, vector<1x128x512xf32>,
    return
  }
  func.func @transform_0(%arg0: i32) -> (i32, i32, i32) {
    %c0_i32 = arith.constant 0 : i32
    %c0_i32_0 = arith.constant 0 : i32
    %c0_i32_1 = arith.constant 0 : i32
    return %arg0, %c0_i32, %c0_i32_0 : i32, i32, i32
  }
  func.func @transform_1(%arg0: i32) -> (i32, i32, i32) {
    %c0_i32 = arith.constant 0 : i32
    %c0_i32_0 = arith.constant 0 : i32
    %c0_i32_1 = arith.constant 0 : i32
    return %arg0, %c0_i32, %c0_i32_0 : i32, i32, i32
  }
  func.func @transform_2(%arg0: i32) -> (i32, i32, i32) {
    %c0_i32 = arith.constant 0 : i32
    %c0_i32_0 = arith.constant 0 : i32
    %c0_i32_1 = arith.constant 0 : i32
    return %arg0, %c0_i32, %c0_i32_0 : i32, i32, i32
  }
  func.func @transform_3(%arg0: i32) -> (i32, i32, i32) {
    %c0_i32 = arith.constant 0 : i32
    %c0_i32_0 = arith.constant 0 : i32
    %c0_i32_1 = arith.constant 0 : i32
    return %arg0, %c0_i32, %c0_i32_0 : i32, i32, i32
  }
  func.func @transform_4(%arg0: i32) -> (i32, i32, i32) {
    %c0_i32 = arith.constant 0 : i32
    %c0_i32_0 = arith.constant 0 : i32
    %c0_i32_1 = arith.constant 0 : i32
    return %arg0, %c0_i32, %c0_i32_0 : i32, i32, i32
  }
}

</mosaic_0001>

<sc_bundles>
// kernel: kernel.6.cloned.1.call-start
scs
__scs_entry_jumppad:
0x0: {  	(pc) =	sbr.rel $0x88, $3  }
0x1: {  	(tag) =	ssettag $0x0;
	lr =	simm.s32 $0x1  }
0x2: {  	[smem:$0x3F9D] =	sst lr;
	_ =	strace $0xD0000000  }
0x3: {  	_ = 	snop  }
0x4: {  	_ = 	snop  }
0x5: {  	_ = 	snop  }
0x6: {  	_ = 	snop  }
0x7: {  	_ = 	snop  }
__scs_overlays_trampoline_lowered:
0x8: {  	[smem:$0x3FAC] =	sst s0  }
0x9: {  	[smem:$0x3FAD] =	sst s1  }
0xa: {  	[smem:$0x3FAE] =	sst s2  }
0xb: {  	[smem:$0x3FAF] =	sst s3  }
0xc: {  	[smem:$0x3FB0] =	sst s4  }
0xd: {  	[smem:$0x3FB1] =	sst s5  }
0xe: {  	[smem:$0x3FB2] =	sst s6  }
0xf: {  	[smem:$0x3FB3] =	sst s7  }
0x10: {  	[smem:$0x3FB4] =	sst s8  }
0x11: {  	[smem:$0x3FB5] =	sst s9;
	s0 =	simm.s32 @!p0 $0x0  }
0x12: {  	s1 =	sld [smem:$0x3F9B];
	s0 =	simm.s32 @p0 $0x1  }
0x13: {  	[smem:$0x3FB6] =	sst s0;
	s0 =	simm.s32 @!p1 $0x0  }
0x14: {  	s2 =	sld [smem:$0x3F9A];
	s0 =	simm.s32 @p1 $0x1  }
0x15: {  	[smem:$0x3FB7] =	sst s0;
	s0 =	simm.s32 @!p2 $0x0  }
0x16: {  	s3 =	sld [smem:$0x3FDB];
	s0 =	simm.s32 @p2 $0x1  }
0x17: {  	s4 =	simm.s32 $0x1BF5;
	[smem:$0x3FB9] =	sst s0  }
0x18: {  	s0 =	sld [smem:$0x3F9C];
	_ =	swait.ge [sflag:s4], $0x0  }
0x19: {  	s7 =	sld [smem:$0x3F9D]  }
0x1a: {  	s8 =	sadd.s32 $0xFFFFE003, lr  }
0x1b: {  	s9 =	sadd.s32 $0xFFFFFEF7, lr;
	s5 =	simm.s32 $0xFFFFFFFF;
	p2 =	slt.u32 s8, $0xFFFFF086  }
0x1c: {  	p1 =	slt.u32 s9, $0xF7A;
	s5 =	simm.s32 @!p2 $0x0  }
0x1d: {  	s5 =	simm.s32 @p1 $0x1;
	p0 =	seq.s32 s7, s2  }
0x1e: {  	s7 =	smul.u32 @!p0 $0xF7A, s2;
	p2 =	seq.s32 @!p0 s5, $0x0  }
0x1f: {  	s9 =	smul.u32 $0xF7A, s1;
	s8 =	simm.s32 @!p0 $0x1BF5;
	p2 =	por !p2, p0  }
0x20: {  	[sflag:s8] =	ssyncset.s32 @!p0 $0xFFFFF086;
	s6 =	sadd.s32 @!p0 s3, s7;
	s7 =	simm.s32 @!p0 $0x108  }
0x21: {  	s3 =	sadd.s32 s3, s9;
	s6 =	sadd.s32 @!p0 $0x88, s6;
	s7 =	simm.s32 @p2 $0x1082  }
0x22: {  	[simem:s7], [sflag:s8] =	dma.local @!p0 [hbm:s6], $0xF7A  }
0x23: {  	s9 =	sor.u32 $0xD0000000, s2;
	s6 =	simm.s32 $0x108;
	_ =	swait.ge @!p0 [sflag:s8], $0x0  }
0x24: {  	s3 =	sadd.s32 $0x88, s3;
	s6 =	simm.s32 @!p1 $0x1082;
	[sflag:s4] =	ssyncset.s32 $0xFFFFF086  }
0x25: {  	[simem:s6], [sflag:s4] =	dma.local [hbm:s3], $0xF7A  }
0x26: {  	[smem:$0x3F9D] =	sst s1;
	(tag) =	ssettag s2;
	_ =	strace s9  }
0x27: {  	s1 =	sld [smem:$0x3FAD]  }
0x28: {  	s2 =	sld [smem:$0x3FAE]  }
0x29: {  	s4 =	sld [smem:$0x3FB0]  }
0x2a: {  	p0 =	seq.s32 s5, $0x0;
	s5 =	sld [smem:$0x3FB1]  }
0x2b: {  	s6 =	sld [smem:$0x3FB2]  }
0x2c: {  	s7 =	sld [smem:$0x3FB3]  }
0x2d: {  	s3 =	simm.s32 $0x108;
	s8 =	sld [smem:$0x3FB4]  }
0x2e: {  	s3 =	simm.s32 @!p0 $0x1082;
	s9 =	sld [smem:$0x3FB5]  }
0x2f: {  	lr =	sadd.s32 s0, s3;
	s0 =	sld [smem:$0x3FAC]  }
0x30: {  	s3 =	sld [smem:$0x3FAF]  }
0x31: {  	[smem:$0x3FB8] =	sst s10  }
0x32: {  	s10 =	sld [smem:$0x3FB6];
	_ =	sdelay $0x3  }
0x33: {  	p0 =	seq.s32 s10, $0x1;
	s10 =	sld [smem:$0x3FB8];
	_ =	sdelay $0x3  }
0x34: {  	[smem:$0x3FB8] =	sst s10  }
0x35: {  	s10 =	sld [smem:$0x3FB7];
	_ =	sdelay $0x3  }
0x36: {  	p1 =	seq.s32 s10, $0x1;
	s10 =	sld [smem:$0x3FB8];
	_ =	sdelay $0x3  }
0x37: {  	[smem:$0x3FB8] =	sst s10  }
0x38: {  	s10 =	sld [smem:$0x3FB9]  }
0x39: {  	_ = 	snop;
	(pc) =	sbr.ind lr, $3  }
0x3a: {  	_ = 	snop  }
0x3b: {  	_ = 	snop  }
0x3c: {  	p2 =	seq.s32 s10, $0x1;
	s10 =	sld [smem:$0x3FB8]  }
0x3d: {  	_ =	shalt  }
0x3e: {  	_ =	shalt  }
0x3f: {  	_ =	shalt  }
0x40: {  	_ =	shalt  }
0x41: {  	_ =	shalt  }
0x42: {  	_ =	shalt  }
0x43: {  	_ =	shalt  }
0x44: {  	_ =	shalt  }
0x45: {  	_ =	shalt  }
0x46: {  	_ =	shalt  }
0x47: {  	_ =	shalt  }
0x48: {  	_ =	shalt  }
0x49: {  	_ =	shalt  }
0x4a: {  	_ =	shalt  }
0x4b: {  	_ =	shalt  }
0x4c: {  	_ =	shalt  }
0x4d: {  	_ =	shalt  }
0x4e: {  	_ =	shalt  }
0x4f: {  	_ =	shalt  }
0x50: {  	_ =	shalt  }
0x51: {  	_ =	shalt  }
0x52: {  	_ =	shalt  }
0x53: {  	_ =	shalt  }
0x54: {  	_ =	shalt  }
0x55: {  	_ =	shalt  }
0x56: {  	_ =	shalt  }
0x57: {  	_ =	shalt  }
0x58: {  	_ =	shalt  }
0x59: {  	_ =	shalt  }
0x5a: {  	_ =	shalt  }
0x5b: {  	_ =	shalt  }
0x5c: {  	_ =	shalt  }
0x5d: {  	_ =	shalt  }
0x5e: {  	_ =	shalt  }
0x5f: {  	_ =	shalt  }
0x60: {  	_ =	shalt  }
0x61: {  	_ =	shalt  }
0x62: {  	_ =	shalt  }
0x63: {  	_ =	shalt  }
0x64: {  	_ =	shalt  }
0x65: {  	_ =	shalt  }
0x66: {  	_ =	shalt  }
0x67: {  	_ =	shalt  }
0x68: {  	_ =	shalt  }
0x69: {  	_ =	shalt  }
0x6a: {  	_ =	shalt  }
0x6b: {  	_ =	shalt  }
0x6c: {  	_ =	shalt  }
0x6d: {  	_ =	shalt  }
0x6e: {  	_ =	shalt  }
0x6f: {  	_ =	shalt  }
0x70: {  	_ =	shalt  }
0x71: {  	_ =	shalt  }
0x72: {  	_ =	shalt  }
0x73: {  	_ =	shalt  }
0x74: {  	_ =	shalt  }
0x75: {  	_ =	shalt  }
0x76: {  	_ =	shalt  }
0x77: {  	_ =	shalt  }
0x78: {  	_ =	shalt  }
0x79: {  	_ =	shalt  }
0x7a: {  	_ =	shalt  }
0x7b: {  	_ =	shalt  }
0x7c: {  	_ =	shalt  }
0x7d: {  	_ =	shalt  }
0x7e: {  	_ =	shalt  }
0x7f: {  	_ =	shalt  }
0x80: {  	_ =	shalt  }
0x81: {  	_ =	shalt  }
0x82: {  	_ =	shalt  }
0x83: {  	_ =	shalt  }
0x84: {  	_ =	shalt  }
0x85: {  	_ =	shalt  }
0x86: {  	_ =	shalt  }
0x87: {  	_ =	shalt  }
.Lfunc_end0:
.L_simem_size_0:
called_computation_lowered:
.L_overlay_start_0:
0x88: {  	s2 =	sld [smem:$0x3FD9]  }
0x89: {  	s3 =	sld [smem:$0x3FFE];
	_ =	sdelay $0x1  }
0x8a: {  	s1 =	srdreg.scid  }
0x8b: {  	s0 =	sand.u32 $0x1, s1  }
0x8c: {  	s17 =	sshll.u32 s0, $0xA;
	s2 =	sadd.s32 s3, s2  }
0x8d: {  	s2 =	sadd.s32 s2, s17  }
0x8e: {  	[smem:$0x3FC4] =	sst s2  }
0x8f: {  	_ = 	snop  }
0x90: {  	s2 =	sld [smem:$0x3FD0];
	(tm) =	ssettm $0x1  }
0x91: {  	s18 =	sld [smem:$0x3FFB];
	_ =	sdelay $0x3  }
0x92: {  	_ =	strace s18  }
0x93: {  	s3 =	sld [smem:$0x3FFC];
	_ =	sdelay $0x3  }
0x94: {  	_ =	strace s3  }
0x95: {  	s3 =	sld [smem:$0x3FFD];
	_ =	sdelay $0x3  }
0x96: {  	_ =	strace s3  }
0x97: {  	_ =	strace $0x8FFFFFFF  }
0x98: {  	s19 =	sld [smem:$0x3FDB];
	_ =	sdelay $0x1  }
0x99: {  	s4 =	simm.s32 $_scs_section_size  }
0x9a: {  	s5 =	simm.s32 $_size__tile_overlayer_lowered;
	s6 =	simm.s32 $_tile_overlayer_lowered  }
0x9b: {  	s22 =	simm.s32 $0x1BFF;
	s21 =	sshll.u32 s6, $0x1;
	s3 =	sadd.s32 s4, s19  }
0x9c: {  	s7 =	simm.s32 $0x0;
	s20 =	sshll.u32 s5, $0x1;
	s5 =	sadd.s32 s21, s3  }
0x9d: {  	[timem:s7], [sflag:s22] =	dma.local [hbm:s5], s20  }
0x9e: {  	_ =	swait.ge [sflag:s22], s20  }
0x9f: {  	s4 =	ssub.s32 $0x0, s20;
	[sflag:s22] =	ssyncset.done $0x0  }
0xa0: {  	[sflag:s22] =	ssyncadd.s32 s4;
	_ =	sdelay $0x1  }
0xa1: {  	s23 =	simm.s32 $0x1B8B  }
0xa2: {  	_ =	swait.ge [sflag:s23], $0x1  }
0xa3: {  	[sflag:s23] =	ssyncset.done $0x0  }
0xa4: {  	s25 =	simm.s32 $0x1B8E;
	s24 =	sld [smem:$0x3FFE];
	[sflag:s23] =	ssyncadd.s32 $0xFFFFFFFF  }
0xa5: {  	s26 =	simm.s32 $execute0_lowered;
	[smem:$0x3FD2] =	sst s25  }
0xa6: {  	s5 =	sshll.u32 s26, $0x1;
	_ =	strace $0x80000046;
	[dreg:$0x1] =	wrdreg $0xFFFFFFFF  }
0xa7: {  	s28 =	simm.s32 $_size_execute0_lowered;
	s3 =	sadd.s32 s3, s5;
	[dreg:$0x0] =	wrdreg $0x0  }
0xa8: {  	s5 =	sshll.u32 s28, $0x1;
	[dreg:$0x2] =	wrdreg s3  }
0xa9: {  	[dreg:$0x3] =	wrdreg s5  }
0xaa: {  	[dreg:$0x4] =	wrdreg $0xC0  }
0xab: {  	_ =	task [dreg:s7], $0x5FFFF  }
0xac: {  	[dreg:$0x1] =	wrdreg $0xFFFFFFFF  }
0xad: {  	[dreg:$0x0] =	wrdreg $0x60  }
0xae: {  	[dreg:$0x2] =	wrdreg s24  }
0xaf: {  	[dreg:$0x3] =	wrdreg s2  }
0xb0: {  	[dreg:$0x4] =	wrdreg $0x9  }
0xb1: {  	_ =	task.clear_ibuf [dreg:s7], $0x5FFFF;
	_ =	strace $0x90000046  }
0xb2: {  	s29 =	simm.s32 $0x9;
	_ =	strace $0x80000048  }
0xb3: {  	_ =	swait.ge [sflag:s29], $0x1  }
0xb4: {  	[sflag:s29] =	ssyncadd.s32 $0xFFFFFFFF  }
0xb5: {  	_ =	strace $0x90000048  }
0xb6: {  	_ =	sfence  }
0xb7: {  	s30 =	sld [smem:$0x0];
	_ =	sdelay $0x2  }
0xb8: {  	s31 =	sshll.u32 s1, $0xD;
	s1 =	sshrl.u32 s1, $0x2  }
0xb9: {  	s3 =	sand.u32 $0x4000, s31;
	s1 =	sadd.s32 s1, s30  }
0xba: {  	s0 =	sor.u32 s3, s0;
	s1 =	sshll.u32 s1, $0x11  }
0xbb: {  	s0 =	sor.u32 s1, s0  }
0xbc: {  	s0 =	sadd.s32 $0x8F2B, s0  }
0xbd: {  	[sflag:s0] =	ssyncadd.remote.s32 $0x1  }
0xbe: {  	_ =	sfence.sel $0xFFFF  }
0xbf: {  	[dreg:$0x0] =	wrdreg $0xFFFFFFFF;
	(pc) =	sbr.abs _section_cstart, $3  }
0xc0: {  	[dreg:$0x1] =	wrdreg $0xFFFFFFFF  }
0xc1: {  	_ =	task.clear_ibuf [dreg:s7], $0x2FFFF;
	_ =	strace $0x9FFFFFFF  }
0xc2: {  	(tm) =	ssettm $0x7FFFFFFF  }
0xc3: {  	_ =	shalt  }
tec
execute0_lowered:
.L_overlay_start_1:
0x0: {  	(tag) =	ssettag $0x1  }
0x1: {  	s3 =	rddreg [dreg:$0x0]  }
0x2: {  	s0 =	srdreg.scid;
	s6 =	rddreg [dreg:$0x1]  }
0x3: {  	s1 =	rddreg [dreg:$0x2];
	s4 =	sand.u32 $0x1, s0  }
0x4: {  	s2 =	simm.s32 $0x0;
	s0 =	stileid.u32;
	s5 =	smul.u32 $0x1C00, s4  }
0x5: {  	[smem:$0x7FF] =	sst s2;
	s7 =	smul.u32 $0x1C0, s0  }
0x6: {  	_ =	strace $0x80000047;
	s29 =	ssub.s32 $0x2, s4;
	s30 =	sshll.u32 s0, $0x7  }
0x7: {  	s4 =	sshll.u32 s4, $0xB;
	s6 =	sadd.s32 s6, s30;
	s5 =	sadd.s32 s7, s5  }
0x8: {  	s31 =	sshrl.u32 s29, $0x1;
	s4 =	sadd.s32 s4, s6;
	s5 =	sshrl.u32 s5, $0x3  }
0x9: {  	s6 =	simm.s32 $0x1;
	s3 =	sadd.s32 s5, s3;
	s5 =	ssub.s32 s29, s31  }
0xa: {  	v0 =	vimm.f32 $0.0e+00;
	v1 =	vimm.f32 $1.000000000e+00;
	s7 =	simm.s32 $0x200;
	s3 =	sadd.s32 $0x200, s3;
	s5 =	smax.u32 s5, $0x1  }
.LBB2_1:
0xb: {  	[tilespmem:$0x200] =	vst v0  }
0xc: {  	[tilespmem:$0x210] =	vst v0  }
0xd: {  	[tilespmem:$0x220] =	vst v0  }
0xe: {  	[tilespmem:$0x230] =	vst v0  }
0xf: {  	[tilespmem:$0x240] =	vst v0  }
0x10: {  	[tilespmem:$0x250] =	vst v0  }
0x11: {  	[tilespmem:$0x260] =	vst v0  }
0x12: {  	[tilespmem:$0x270] =	vst v0  }
0x13: {  	[tilespmem:$0x280] =	vst v0  }
0x14: {  	[tilespmem:$0x290] =	vst v0  }
0x15: {  	[tilespmem:$0x2A0] =	vst v0  }
0x16: {  	[tilespmem:$0x2B0] =	vst v0  }
0x17: {  	[tilespmem:$0x2C0] =	vst v0  }
0x18: {  	[tilespmem:$0x2D0] =	vst v0  }
0x19: {  	[tilespmem:$0x2E0] =	vst v0  }
0x1a: {  	[tilespmem:$0x2F0] =	vst v0  }
0x1b: {  	[tilespmem:$0x300] =	vst v0  }
0x1c: {  	[tilespmem:$0x310] =	vst v0  }
0x1d: {  	[tilespmem:$0x320] =	vst v0  }
0x1e: {  	[tilespmem:$0x330] =	vst v0  }
0x1f: {  	[tilespmem:$0x340] =	vst v0  }
0x20: {  	[tilespmem:$0x350] =	vst v0  }
0x21: {  	[tilespmem:$0x360] =	vst v0  }
0x22: {  	[tilespmem:$0x370] =	vst v0  }
0x23: {  	[tilespmem:$0x380] =	vst v0  }
0x24: {  	[tilespmem:$0x390] =	vst v0  }
0x25: {  	[tilespmem:$0x3A0] =	vst v0  }
0x26: {  	[tilespmem:$0x3B0] =	vst v0  }
0x27: {  	[tilespmem:$0x3C0] =	vst v0  }
0x28: {  	[tilespmem:$0x3D0] =	vst v0  }
0x29: {  	[tilespmem:$0x3E0] =	vst v0  }
0x2a: {  	[tilespmem:$0x3F0] =	vst v0  }
0x2b: {  	[tilespmem:$0x400] =	vst v0  }
0x2c: {  	[tilespmem:$0x410] =	vst v0  }
0x2d: {  	[tilespmem:$0x420] =	vst v0  }
0x2e: {  	[tilespmem:$0x430] =	vst v0  }
0x2f: {  	[tilespmem:$0x440] =	vst v0  }
0x30: {  	[tilespmem:$0x450] =	vst v0  }
0x31: {  	[tilespmem:$0x460] =	vst v0  }
0x32: {  	[tilespmem:$0x470] =	vst v0  }
0x33: {  	[tilespmem:$0x480] =	vst v0  }
0x34: {  	[tilespmem:$0x490] =	vst v0  }
0x35: {  	[tilespmem:$0x4A0] =	vst v0  }
0x36: {  	[tilespmem:$0x4B0] =	vst v0  }
0x37: {  	[tilespmem:$0x4C0] =	vst v0  }
0x38: {  	[tilespmem:$0x4D0] =	vst v0  }
0x39: {  	[tilespmem:$0x4E0] =	vst v0  }
0x3a: {  	[tilespmem:$0x4F0] =	vst v0  }
0x3b: {  	[tilespmem:$0x500] =	vst v0  }
0x3c: {  	[tilespmem:$0x510] =	vst v0  }
0x3d: {  	[tilespmem:$0x520] =	vst v0  }
0x3e: {  	[tilespmem:$0x530] =	vst v0  }
0x3f: {  	[tilespmem:$0x540] =	vst v0  }
0x40: {  	[tilespmem:$0x550] =	vst v0  }
0x41: {  	[tilespmem:$0x560] =	vst v0  }
0x42: {  	[tilespmem:$0x570] =	vst v0  }
0x43: {  	[tilespmem:$0x580] =	vst v0  }
0x44: {  	[tilespmem:$0x590] =	vst v0  }
0x45: {  	[tilespmem:$0x5A0] =	vst v0  }
0x46: {  	[tilespmem:$0x5B0] =	vst v0  }
0x47: {  	[tilespmem:$0x5C0] =	vst v0  }
0x48: {  	[tilespmem:$0x5D0] =	vst v0  }
0x49: {  	[tilespmem:$0x5E0] =	vst v0  }
0x4a: {  	[tilespmem:$0x5F0] =	vst v0  }
0x4b: {  	[tilespmem:s2], [sflag:$0x1] =	stream.linear.gather [hbm4b:s3+s2], $0x1C0, $0x38;
	[tilespmem:$0x600] =	vst v63  }
0x4c: {  	_ =	swait.ge [sflag:s6], $0x1C0  }
0x4d: {  	[sflag:s6] =	ssyncset.done $0x0  }
0x4e: {  	[sflag:s6] =	ssyncadd.s32 $0xFFFFFE40  }
0x4f: {  	v2 =	vld [tilespmem:$0x0];
	_ =	sdelay $0x4  }
0x50: {  	vm0 =	vgt.s32 v2, $0x0;
	vm1 =	vgt.s32 v2, $0xFFFFFFFF  }
0x51: {  	v2 =	vnsel vm0, $0x0, v2;
	_ =	sdelay $0x4  }
0x52: {  	[tilespmem:v2+s7+$0x0] =	vst.idx.add.f32.msk vm1, v1  }
0x53: {  	v2 =	vld [tilespmem:$0x10];
	_ =	sdelay $0x4  }
0x54: {  	vm10 =	vgt.s32 v2, $0x0;
	vm11 =	vgt.s32 v2, $0xFFFFFFFF  }
0x55: {  	v2 =	vnsel vm10, $0x0, v2;
	_ =	sdelay $0x4  }
0x56: {  	[tilespmem:v2+s7+$0x0] =	vst.idx.add.f32.msk vm11, v1  }
0x57: {  	v2 =	vld [tilespmem:$0x20];
	_ =	sdelay $0x4  }
0x58: {  	vm12 =	vgt.s32 v2, $0x0;
	vm13 =	vgt.s32 v2, $0xFFFFFFFF  }
0x59: {  	v2 =	vnsel vm12, $0x0, v2;
	_ =	sdelay $0x4  }
0x5a: {  	[tilespmem:v2+s7+$0x0] =	vst.idx.add.f32.msk vm13, v1  }
0x5b: {  	v2 =	vld [tilespmem:$0x30];
	_ =	sdelay $0x4  }
0x5c: {  	vm14 =	vgt.s32 v2, $0x0;
	vm15 =	vgt.s32 v2, $0xFFFFFFFF  }
0x5d: {  	v2 =	vnsel vm14, $0x0, v2;
	_ =	sdelay $0x4  }
0x5e: {  	[tilespmem:v2+s7+$0x0] =	vst.idx.add.f32.msk vm15, v1  }
0x5f: {  	v2 =	vld [tilespmem:$0x40];
	_ =	sdelay $0x4  }
0x60: {  	vm4 =	vgt.s32 v2, $0x0;
	vm5 =	vgt.s32 v2, $0xFFFFFFFF  }
0x61: {  	v2 =	vnsel vm4, $0x0, v2;
	_ =	sdelay $0x4  }
0x62: {  	[tilespmem:v2+s7+$0x0] =	vst.idx.add.f32.msk vm5, v1  }
0x63: {  	v2 =	vld [tilespmem:$0x50];
	_ =	sdelay $0x4  }
0x64: {  	vm6 =	vgt.s32 v2, $0x0;
	vm7 =	vgt.s32 v2, $0xFFFFFFFF  }
0x65: {  	v2 =	vnsel vm6, $0x0, v2;
	_ =	sdelay $0x4  }
0x66: {  	[tilespmem:v2+s7+$0x0] =	vst.idx.add.f32.msk vm7, v1  }
0x67: {  	v2 =	vld [tilespmem:$0x60];
	_ =	sdelay $0x4  }
0x68: {  	vm8 =	vgt.s32 v2, $0x0;
	vm9 =	vgt.s32 v2, $0xFFFFFFFF  }
0x69: {  	v2 =	vnsel vm8, $0x0, v2;
	_ =	sdelay $0x4  }
0x6a: {  	[tilespmem:v2+s7+$0x0] =	vst.idx.add.f32.msk vm9, v1  }
0x6b: {  	v2 =	vld [tilespmem:$0x70];
	_ =	sdelay $0x4  }
0x6c: {  	vm10 =	vgt.s32 v2, $0x0;
	vm11 =	vgt.s32 v2, $0xFFFFFFFF  }
0x6d: {  	v2 =	vnsel vm10, $0x0, v2;
	_ =	sdelay $0x4  }
0x6e: {  	[tilespmem:v2+s7+$0x0] =	vst.idx.add.f32.msk vm11, v1  }
0x6f: {  	v2 =	vld [tilespmem:$0x80];
	_ =	sdelay $0x4  }
0x70: {  	vm12 =	vgt.s32 v2, $0x0;
	vm13 =	vgt.s32 v2, $0xFFFFFFFF  }
0x71: {  	v2 =	vnsel vm12, $0x0, v2;
	_ =	sdelay $0x4  }
0x72: {  	[tilespmem:v2+s7+$0x0] =	vst.idx.add.f32.msk vm13, v1  }
0x73: {  	v2 =	vld [tilespmem:$0x90];
	_ =	sdelay $0x4  }
0x74: {  	vm14 =	vgt.s32 v2, $0x0;
	vm15 =	vgt.s32 v2, $0xFFFFFFFF  }
0x75: {  	v2 =	vnsel vm14, $0x0, v2;
	_ =	sdelay $0x4  }
0x76: {  	[tilespmem:v2+s7+$0x0] =	vst.idx.add.f32.msk vm15, v1  }
0x77: {  	v2 =	vld [tilespmem:$0xA0];
	_ =	sdelay $0x4  }
0x78: {  	vm4 =	vgt.s32 v2, $0x0;
	vm5 =	vgt.s32 v2, $0xFFFFFFFF  }
0x79: {  	v2 =	vnsel vm4, $0x0, v2;
	_ =	sdelay $0x4  }
0x7a: {  	[tilespmem:v2+s7+$0x0] =	vst.idx.add.f32.msk vm5, v1  }
0x7b: {  	v2 =	vld [tilespmem:$0xB0];
	_ =	sdelay $0x4  }
0x7c: {  	vm6 =	vgt.s32 v2, $0x0;
	vm7 =	vgt.s32 v2, $0xFFFFFFFF  }
0x7d: {  	v2 =	vnsel vm6, $0x0, v2;
	_ =	sdelay $0x4  }
0x7e: {  	[tilespmem:v2+s7+$0x0] =	vst.idx.add.f32.msk vm7, v1  }
0x7f: {  	v2 =	vld [tilespmem:$0xC0];
	_ =	sdelay $0x4  }
0x80: {  	vm8 =	vgt.s32 v2, $0x0;
	vm9 =	vgt.s32 v2, $0xFFFFFFFF  }
0x81: {  	v2 =	vnsel vm8, $0x0, v2;
	_ =	sdelay $0x4  }
0x82: {  	[tilespmem:v2+s7+$0x0] =	vst.idx.add.f32.msk vm9, v1  }
0x83: {  	v2 =	vld [tilespmem:$0xD0];
	_ =	sdelay $0x4  }
0x84: {  	vm10 =	vgt.s32 v2, $0x0;
	vm11 =	vgt.s32 v2, $0xFFFFFFFF  }
0x85: {  	v2 =	vnsel vm10, $0x0, v2;
	_ =	sdelay $0x4  }
0x86: {  	[tilespmem:v2+s7+$0x0] =	vst.idx.add.f32.msk vm11, v1  }
0x87: {  	v2 =	vld [tilespmem:$0xE0];
	_ =	sdelay $0x4  }
0x88: {  	vm12 =	vgt.s32 v2, $0x0;
	vm13 =	vgt.s32 v2, $0xFFFFFFFF  }
0x89: {  	v2 =	vnsel vm12, $0x0, v2;
	_ =	sdelay $0x4  }
0x8a: {  	[tilespmem:v2+s7+$0x0] =	vst.idx.add.f32.msk vm13, v1  }
0x8b: {  	v2 =	vld [tilespmem:$0xF0];
	_ =	sdelay $0x4  }
0x8c: {  	vm14 =	vgt.s32 v2, $0x0;
	vm15 =	vgt.s32 v2, $0xFFFFFFFF  }
0x8d: {  	v2 =	vnsel vm14, $0x0, v2;
	_ =	sdelay $0x4  }
0x8e: {  	[tilespmem:v2+s7+$0x0] =	vst.idx.add.f32.msk vm15, v1  }
0x8f: {  	v2 =	vld [tilespmem:$0x100];
	_ =	sdelay $0x4  }
0x90: {  	vm4 =	vgt.s32 v2, $0x0;
	vm5 =	vgt.s32 v2, $0xFFFFFFFF  }
0x91: {  	v2 =	vnsel vm4, $0x0, v2;
	_ =	sdelay $0x4  }
0x92: {  	[tilespmem:v2+s7+$0x0] =	vst.idx.add.f32.msk vm5, v1  }
0x93: {  	v2 =	vld [tilespmem:$0x110];
	_ =	sdelay $0x4  }
0x94: {  	vm6 =	vgt.s32 v2, $0x0;
	vm7 =	vgt.s32 v2, $0xFFFFFFFF  }
0x95: {  	v2 =	vnsel vm6, $0x0, v2;
	_ =	sdelay $0x4  }
0x96: {  	[tilespmem:v2+s7+$0x0] =	vst.idx.add.f32.msk vm7, v1  }
0x97: {  	v2 =	vld [tilespmem:$0x120];
	_ =	sdelay $0x4  }
0x98: {  	vm8 =	vgt.s32 v2, $0x0;
	vm9 =	vgt.s32 v2, $0xFFFFFFFF  }
0x99: {  	v2 =	vnsel vm8, $0x0, v2;
	_ =	sdelay $0x4  }
0x9a: {  	[tilespmem:v2+s7+$0x0] =	vst.idx.add.f32.msk vm9, v1  }
0x9b: {  	v2 =	vld [tilespmem:$0x130];
	_ =	sdelay $0x4  }
0x9c: {  	vm10 =	vgt.s32 v2, $0x0;
	vm11 =	vgt.s32 v2, $0xFFFFFFFF  }
0x9d: {  	v2 =	vnsel vm10, $0x0, v2;
	_ =	sdelay $0x4  }
0x9e: {  	[tilespmem:v2+s7+$0x0] =	vst.idx.add.f32.msk vm11, v1  }
0x9f: {  	v2 =	vld [tilespmem:$0x140];
	_ =	sdelay $0x4  }
0xa0: {  	vm12 =	vgt.s32 v2, $0x0;
	vm13 =	vgt.s32 v2, $0xFFFFFFFF  }
0xa1: {  	v2 =	vnsel vm12, $0x0, v2;
	_ =	sdelay $0x4  }
0xa2: {  	[tilespmem:v2+s7+$0x0] =	vst.idx.add.f32.msk vm13, v1  }
0xa3: {  	v2 =	vld [tilespmem:$0x150];
	_ =	sdelay $0x4  }
0xa4: {  	vm14 =	vgt.s32 v2, $0x0;
	vm15 =	vgt.s32 v2, $0xFFFFFFFF  }
0xa5: {  	v2 =	vnsel vm14, $0x0, v2;
	_ =	sdelay $0x4  }
0xa6: {  	[tilespmem:v2+s7+$0x0] =	vst.idx.add.f32.msk vm15, v1  }
0xa7: {  	v2 =	vld [tilespmem:$0x160];
	_ =	sdelay $0x4  }
0xa8: {  	vm4 =	vgt.s32 v2, $0x0;
	vm5 =	vgt.s32 v2, $0xFFFFFFFF  }
0xa9: {  	v2 =	vnsel vm4, $0x0, v2;
	_ =	sdelay $0x4  }
0xaa: {  	[tilespmem:v2+s7+$0x0] =	vst.idx.add.f32.msk vm5, v1  }
0xab: {  	v2 =	vld [tilespmem:$0x170];
	_ =	sdelay $0x4  }
0xac: {  	vm6 =	vgt.s32 v2, $0x0;
	vm7 =	vgt.s32 v2, $0xFFFFFFFF  }
0xad: {  	v2 =	vnsel vm6, $0x0, v2;
	_ =	sdelay $0x4  }
0xae: {  	[tilespmem:v2+s7+$0x0] =	vst.idx.add.f32.msk vm7, v1  }
0xaf: {  	v2 =	vld [tilespmem:$0x180];
	_ =	sdelay $0x4  }
0xb0: {  	vm8 =	vgt.s32 v2, $0x0;
	vm9 =	vgt.s32 v2, $0xFFFFFFFF  }
0xb1: {  	v2 =	vnsel vm8, $0x0, v2;
	_ =	sdelay $0x4  }
0xb2: {  	[tilespmem:v2+s7+$0x0] =	vst.idx.add.f32.msk vm9, v1  }
0xb3: {  	v2 =	vld [tilespmem:$0x190];
	_ =	sdelay $0x4  }
0xb4: {  	vm10 =	vgt.s32 v2, $0x0;
	vm11 =	vgt.s32 v2, $0xFFFFFFFF  }
0xb5: {  	v2 =	vnsel vm10, $0x0, v2;
	_ =	sdelay $0x4  }
0xb6: {  	[tilespmem:v2+s7+$0x0] =	vst.idx.add.f32.msk vm11, v1  }
0xb7: {  	v2 =	vld [tilespmem:$0x1A0];
	_ =	sdelay $0x4  }
0xb8: {  	vm12 =	vgt.s32 v2, $0x0;
	vm13 =	vgt.s32 v2, $0xFFFFFFFF  }
0xb9: {  	v2 =	vnsel vm12, $0x0, v2;
	_ =	sdelay $0x4  }
0xba: {  	[tilespmem:v2+s7+$0x0] =	vst.idx.add.f32.msk vm13, v1  }
0xbb: {  	v2 =	vld [tilespmem:$0x1B0];
	_ =	sdelay $0x4  }
0xbc: {  	vm14 =	vgt.s32 v2, $0x0;
	vm15 =	vgt.s32 v2, $0xFFFFFFFF  }
0xbd: {  	v2 =	vnsel vm14, $0x0, v2;
	_ =	sdelay $0x3  }
0xbe: {  	p0 =	sne.s32 s5, $0x1  }
.Ltmp0:
0xbf: {  	[tilespmem:v2+s7+$0x0] =	vst.idx.add.f32.msk vm15, v1;
	(pc) =	sbr.rel @p0 .LBB2_1-.Ltmp0, $4  }
0xc0: {  	[hbm4b:s4+s2] =	stream.linear.scatter [tilespmem:s7], [sflag:$0x1], $0x400, $0x38;
	[tilespmem:$0x600] =	vst v63  }
0xc1: {  	_ =	swait.ge [sflag:s6], $0x400  }
0xc2: {  	[sflag:s6] =	ssyncset.done $0x0  }
0xc3: {  	s5 =	sadd.s32 $0xFFFFFFFF, s5;
	[sflag:s6] =	ssyncadd.s32 $0xFFFFFC00  }
0xc4: {  	_ =	sfence.sel $0x180000  }
0xc5: {  	[bflag:$0x0] =	sbarrier.arrive $0xFFFF  }
0xc6: {  	p0 =	sne.s32 s0, $0x0;
	_ =	strace $0x90000047  }
0xc7: {  	s0 =	sadd.s32 @!p0 $0x100000, s1;
	[bflag:$0x2] =	sbarrier.arrive $0xFFFF  }
0xc8: {  	[sflag:s0] =	ssyncadd.tile.s32 @!p0 $0x1;
	_ =	shalt  }
.Lfunc_end2:
_tile_overlayer_lowered:
.L_overlay_start_2:
0xc9: {  	(tag) =	ssettag $0x2  }
0xca: {  	s0 =	rddreg [dreg:$0x0];
	s2 =	stileid.u32  }
0xcb: {  	s1 =	rddreg [dreg:$0x1];
	p0 =	sne.s32 s2, $0x0  }
0xcc: {  	s3 =	rddreg [dreg:$0x2];
	[bflag:$0x3] =	sbarrier.arrive $0xFFFF;
	s2 =	simm.s32 @!p0 $0x1C01  }
0xcd: {  	[timem:s3], [sflag:s2] =	dma.local @!p0 [hbm:s0], s1  }
0xce: {  	s0 =	simm.s32 @!p0 $0x1  }
0xcf: {  	_ =	swait.ge @!p0 [sflag:s0], s1  }
0xd0: {  	s1 =	ssub.s32 @!p0 $0x0, s1;
	[sflag:s0] =	ssyncset.done @!p0 $0x0  }
0xd1: {  	[sflag:s0] =	ssyncadd.s32 @!p0 s1  }
0xd2: {  	[bflag:$0x3] =	sbarrier.arrive $0xFFFF  }
0xd3: {  	_ =	shalt  }

</sc_bundles>
